<compile_context>
chip_gen: v7x
topology: tpu7x:2x2x1
jax: 0.10.2.dev20260603
libtpu: 0.0.44.dev20260713+nightly
codegen_flags: <defaults>
</compile_context>

<pallas_src>
import functools

import numpy as np
import jax
import jax.numpy as jnp
from jax import lax
from jax.experimental import pallas as pl
from jax.experimental.pallas import tpu as pltpu
from jax.experimental.pallas import tpu_sc as plsc

_NC = 2
_NS = 16
_NW = _NC * _NS
_L = 16
_CH = 200


def _positional_encoding(length: int, d_model: int) -> np.ndarray:
    positions = np.arange(length)[:, None]
    dims = np.arange(d_model)[None, :]
    angle_rates = 1.0 / np.power(10000.0, 2 * (dims // 2) / np.float32(d_model))
    angle_rads = positions * angle_rates
    pos = np.zeros((length, d_model), dtype=np.float32)
    pos[:, 0::2] = np.sin(angle_rads[:, 0::2])
    pos[:, 1::2] = np.cos(angle_rads[:, 1::2])
    return pos


def _make_sc_kernel(B: int, S: int, D: int, DP: int):
    rows_per_w = B * S // _NW
    chunks = rows_per_w // _CH
    scale = float(np.sqrt(np.float32(D)))
    groups = D // _L

    mesh = plsc.VectorSubcoreMesh(core_axis_name="c", subcore_axis_name="s")

    @functools.partial(
        pl.kernel,
        mesh=mesh,
        out_type=jax.ShapeDtypeStruct((B * S, DP), jnp.float32),
        compiler_params=pltpu.CompilerParams(use_tc_tiling_on_sc=False),
        scratch_types=[
            pltpu.VMEM((chunks, _CH), jnp.int32),
            pltpu.VMEM((_CH, DP), jnp.float32),
            pltpu.VMEM((_CH, DP), jnp.float32),
            pltpu.VMEM((_CH, D), jnp.float32),
            pltpu.VMEM((_CH, D), jnp.float32),
            pltpu.VMEM((S, D), jnp.float32),
            pltpu.SemaphoreType.DMA,
            pltpu.SemaphoreType.DMA,
            pltpu.SemaphoreType.DMA,
            pltpu.SemaphoreType.DMA,
        ],
    )
    def k(x_hbm, table_hbm, pos_hbm, out_hbm,
          idx_v, b0, b1, ob0, ob1, pos_v,
          g0, g1, o0, o1):
        wid = lax.axis_index("s") * _NC + lax.axis_index("c")
        bufs = (b0, b1)
        obufs = (ob0, ob1)
        gsems = (g0, g1)
        osems = (o0, o1)

        pltpu.sync_copy(pos_hbm, pos_v)
        pltpu.sync_copy(x_hbm.at[wid], idx_v)
        base_r = wid * rows_per_w

        def gather(c, slot):
            pltpu.async_copy(
                table_hbm.at[idx_v.at[c]], bufs[slot], gsems[slot])

        def wait_gather(c, slot):
            pltpu.make_async_copy(
                table_hbm.at[idx_v.at[c]], bufs[slot], gsems[slot]).wait()

        def out_copy(c, oslot):
            return pltpu.make_async_copy(
                obufs[oslot],
                out_hbm.at[pl.ds(base_r + c * _CH, _CH), pl.ds(0, D)],
                osems[oslot])

        gather(0, 0)
        gather(1, 1)

        def step(c, slot):
            buf = bufs[slot]
            obuf = obufs[slot]
            wait_gather(c, slot)

            @pl.when(c >= 2)
            def _():
                out_copy(c - 2, slot).wait()

            def row_body(r, carry):
                for g in range(groups):
                    sl = pl.ds(g * _L, _L)
                    obuf[r, sl] = buf[r, sl] * scale + pos_v[r, sl]
                return carry

            lax.fori_loop(0, _CH, row_body, 0, unroll=8)
            out_copy(c, slot).start()

            @pl.when(c + 2 < chunks)
            def _():
                gather(c + 2, slot)

        def pair_body(j, carry):
            step(2 * j, 0)
            step(2 * j + 1, 1)
            return carry

        lax.fori_loop(0, chunks // 2, pair_body, 0)
        out_copy(chunks - 2, 0).wait()
        out_copy(chunks - 1, 1).wait()

    return k


def kernel(x, table):
    B, S = x.shape
    V, D = table.shape
    DP = 2 * D
    pos = jnp.asarray(_positional_encoding(S, D))
    table_p = jnp.pad(table, ((0, 0), (0, DP - D)))
    x4 = x.reshape(_NW, (B * S) // (_NW * _CH), _CH).astype(jnp.int32)
    k = _make_sc_kernel(B, S, D, DP)
    out = k(x4, table_p, pos)
    return out[:, :D].reshape(B, S, D)

# --- scband reference (transcript-rebuilt; emitter-appended) ---
"""Pipeline reference for scband-positional-embedding-15470472200245 (READ-ONLY COPY).

The authoritative reference and input builder live on the scoring server;
editing this copy changes nothing except your own understanding.
"""

import jax, jax.numpy as jnp
import numpy as np

VOCAB = 1000000
D_MODEL = 64
MAX_LENGTH = 2048
BATCH = 4096
SEQ = 200


def positional_encoding(length, d_model):
    positions = np.arange(length)[:, None]
    dims = np.arange(d_model)[None, :]
    angle_rates = 1.0 / np.power(10000.0, 2 * (dims // 2) / np.float32(d_model))
    angle_rads = positions * angle_rates
    pos = np.zeros((length, d_model), dtype=np.float32)
    pos[:, 0::2] = np.sin(angle_rads[:, 0::2])
    pos[:, 1::2] = np.cos(angle_rads[:, 1::2])
    return jnp.asarray(pos, dtype=jnp.float32)


def setup_inputs(seed: int = 0) -> dict:
    key = jax.random.key(seed)
    k1, k2 = jax.random.split(key)
    x = jax.random.randint(k1, (BATCH, SEQ), 0, VOCAB, dtype=jnp.int64 if jax.config.jax_enable_x64 else jnp.int32)
    # learned embedding table (keras Embedding default: uniform init)
    table = jax.random.uniform(k2, (VOCAB, D_MODEL), dtype=jnp.float32, minval=-0.05, maxval=0.05)
    return {"x": x, "table": table}


def reference(x, table):
    length = x.shape[1]
    pos_encoding = positional_encoding(MAX_LENGTH, D_MODEL)
    emb = jnp.take(table, x, axis=0)
    emb = emb.astype(jnp.float32)
    emb = emb * jnp.sqrt(jnp.asarray(D_MODEL, dtype=jnp.float32))
    emb = emb + pos_encoding[jnp.newaxis, :length, :]
    return emb

if __name__ == "__main__":
    import jax
    _d = setup_inputs()
    print(jax.jit(kernel)(*tuple(_d.values())))

</pallas_src>

<mosaic_0001>
#map = affine_map<(d0, d1) -> (0, 0, 0)>
#map1 = affine_map<(d0, d1) -> (0, 0)>
module attributes {stable_mosaic.version = 14 : i64} {
  func.func @k(%arg0: i32, %arg1: i32, %arg2: memref<32x128x200xi32, #tpu.memory_space<hbm>>, %arg3: memref<1000000x128xf32, #tpu.memory_space<hbm>>, %arg4: memref<200x64xf32, #tpu.memory_space<hbm>>, %arg5: memref<819200x128xf32, #tpu.memory_space<hbm>>, %arg6: memref<128x200xi32, #tpu.memory_space<vmem>>, %arg7: memref<200x128xf32, #tpu.memory_space<vmem>>, %arg8: memref<200x128xf32, #tpu.memory_space<vmem>>, %arg9: memref<200x64xf32, #tpu.memory_space<vmem>>, %arg10: memref<200x64xf32, #tpu.memory_space<vmem>>, %arg11: memref<200x64xf32, #tpu.memory_space<vmem>>, %arg12: memref<!tpu.dma_semaphore, #tpu.memory_space<semaphore_mem>>, %arg13: memref<!tpu.dma_semaphore, #tpu.memory_space<semaphore_mem>>, %arg14: memref<!tpu.dma_semaphore, #tpu.memory_space<semaphore_mem>>, %arg15: memref<!tpu.dma_semaphore, #tpu.memory_space<semaphore_mem>>) attributes {dimension_semantics = [#tpu.dimension_semantics<core_parallel>, #tpu.dimension_semantics<subcore_parallel>], iteration_bounds = array<i64: 2, 16>, scalar_prefetch = 0 : i64, scratch_operands = 10 : i64, tpu.core_type = #tpu.core_type<sc_vector_subcore>, window_params = [{transform_indices = #map}, {transform_indices = #map1}, {transform_indices = #map1}, {transform_indices = #map1}]} {
    %mul3A = arith.constant 2 : i32
    %mul3A_0 = arith.muli %arg1, %mul3A : i32
    %add3A = arith.addi %mul3A_0, %arg0 : i32
    "tpu.region"() ({
      %run_scoped3A = tpu.sem_alloc : memref<!tpu.dma_semaphore, #tpu.memory_space<semaphore_mem>>
      tpu.enqueue_dma source(%arg4 : memref<200x64xf32, #tpu.memory_space<hbm>>) target(%arg11 : memref<200x64xf32, #tpu.memory_space<vmem>>) target_semaphore(%run_scoped3A : memref<!tpu.dma_semaphore, #tpu.memory_space<semaphore_mem>>)
      tpu.wait_dma2 semaphore(%run_scoped3A : memref<!tpu.dma_semaphore, #tpu.memory_space<semaphore_mem>>) src(%arg4 : memref<200x64xf32, #tpu.memory_space<hbm>>) dst(%arg11 : memref<200x64xf32, #tpu.memory_space<vmem>>)
      tpu.yield
    }) : () -> ()
    "tpu.region"() ({
      %run_scoped3A = tpu.sem_alloc : memref<!tpu.dma_semaphore, #tpu.memory_space<semaphore_mem>>
      %dma_start3A_32 = arith.constant 0 : i32
      %dma_start3A_33 = arith.constant 0 : i32
      %dma_start3A_34 = tpu.memref_slice %arg2[%add3A, %dma_start3A_32, %dma_start3A_33] : memref<32x128x200xi32, #tpu.memory_space<hbm>> -> memref<1x128x200xi32, #tpu.memory_space<hbm>>
      %dma_start3A_35 = tpu.memref_squeeze %dma_start3A_34 : memref<1x128x200xi32, #tpu.memory_space<hbm>> -> memref<128x200xi32, #tpu.memory_space<hbm>>
      %dma_start3A_36 = arith.constant 0 : i32
      %dma_start3A_37 = arith.constant 0 : i32
      %dma_start3A_38 = tpu.memref_slice %arg2[%add3A, %dma_start3A_36, %dma_start3A_37] : memref<32x128x200xi32, #tpu.memory_space<hbm>> -> memref<1x128x200xi32, #tpu.memory_space<hbm>>
      %dma_start3A_39 = tpu.memref_squeeze %dma_start3A_38 : memref<1x128x200xi32, #tpu.memory_space<hbm>> -> memref<128x200xi32, #tpu.memory_space<hbm>>
      tpu.enqueue_dma source(%dma_start3A_39 : memref<128x200xi32, #tpu.memory_space<hbm>>) target(%arg6 : memref<128x200xi32, #tpu.memory_space<vmem>>) target_semaphore(%run_scoped3A : memref<!tpu.dma_semaphore, #tpu.memory_space<semaphore_mem>>)
      %dma_wait3A_40 = arith.constant 0 : i32
      %dma_wait3A_41 = arith.constant 0 : i32
      %dma_wait3A_42 = tpu.memref_slice %arg2[%add3A, %dma_wait3A_40, %dma_wait3A_41] : memref<32x128x200xi32, #tpu.memory_space<hbm>> -> memref<1x128x200xi32, #tpu.memory_space<hbm>>
      %dma_wait3A_43 = tpu.memref_squeeze %dma_wait3A_42 : memref<1x128x200xi32, #tpu.memory_space<hbm>> -> memref<128x200xi32, #tpu.memory_space<hbm>>
      %dma_wait3A_44 = arith.constant 0 : i32
      %dma_wait3A_45 = arith.constant 0 : i32
      %dma_wait3A_46 = tpu.memref_slice %arg2[%add3A, %dma_wait3A_44, %dma_wait3A_45] : memref<32x128x200xi32, #tpu.memory_space<hbm>> -> memref<1x128x200xi32, #tpu.memory_space<hbm>>
      %dma_wait3A_47 = tpu.memref_squeeze %dma_wait3A_46 : memref<1x128x200xi32, #tpu.memory_space<hbm>> -> memref<128x200xi32, #tpu.memory_space<hbm>>
      tpu.wait_dma2 semaphore(%run_scoped3A : memref<!tpu.dma_semaphore, #tpu.memory_space<semaphore_mem>>) src(%dma_wait3A_47 : memref<128x200xi32, #tpu.memory_space<hbm>>) dst(%arg6 : memref<128x200xi32, #tpu.memory_space<vmem>>)
      tpu.yield
    }) : () -> ()
    %mul3A_1 = arith.constant 25600 : i32
    %mul3A_2 = arith.muli %add3A, %mul3A_1 : i32
    %dma_start3A = arith.constant 0 : i32
    %dma_start3A_3 = arith.constant 0 : i32
    %dma_start3A_4 = tpu.memref_slice %arg6[%dma_start3A, %dma_start3A_3] : memref<128x200xi32, #tpu.memory_space<vmem>> -> memref<1x200xi32, #tpu.memory_space<vmem>>
    %dma_start3A_5 = tpu.memref_squeeze %dma_start3A_4 : memref<1x200xi32, #tpu.memory_space<vmem>> -> memref<200xi32, #tpu.memory_space<vmem>>
    %dma_start3A_6 = arith.constant 0 : i32
    %dma_start3A_7 = arith.constant 0 : i32
    %dma_start3A_8 = tpu.memref_slice %arg3[%dma_start3A_6, %dma_start3A_7] : memref<1000000x128xf32, #tpu.memory_space<hbm>> -> memref<1000000x128xf32, #tpu.memory_space<hbm>>
    tpu.enqueue_indirect_dma source(%dma_start3A_8 : memref<1000000x128xf32, #tpu.memory_space<hbm>>) target(%arg7 : memref<200x128xf32, #tpu.memory_space<vmem>>) offsets(%dma_start3A_5 : memref<200xi32, #tpu.memory_space<vmem>>) semaphore(%arg12 : memref<!tpu.dma_semaphore, #tpu.memory_space<semaphore_mem>>)
    %dma_start3A_9 = arith.constant 1 : i32
    %dma_start3A_10 = arith.constant 0 : i32
    %dma_start3A_11 = tpu.memref_slice %arg6[%dma_start3A_9, %dma_start3A_10] : memref<128x200xi32, #tpu.memory_space<vmem>> -> memref<1x200xi32, #tpu.memory_space<vmem>>
    %dma_start3A_12 = tpu.memref_squeeze %dma_start3A_11 : memref<1x200xi32, #tpu.memory_space<vmem>> -> memref<200xi32, #tpu.memory_space<vmem>>
    %dma_start3A_13 = arith.constant 0 : i32
    %dma_start3A_14 = arith.constant 0 : i32
    %dma_start3A_15 = tpu.memref_slice %arg3[%dma_start3A_13, %dma_start3A_14] : memref<1000000x128xf32, #tpu.memory_space<hbm>> -> memref<1000000x128xf32, #tpu.memory_space<hbm>>
    tpu.enqueue_indirect_dma source(%dma_start3A_15 : memref<1000000x128xf32, #tpu.memory_space<hbm>>) target(%arg8 : memref<200x128xf32, #tpu.memory_space<vmem>>) offsets(%dma_start3A_12 : memref<200xi32, #tpu.memory_space<vmem>>) semaphore(%arg13 : memref<!tpu.dma_semaphore, #tpu.memory_space<semaphore_mem>>)
    %scan3A = arith.constant 0 : i32
    %scan3A_16 = arith.constant 0 : i32
    %scan3A_17 = arith.constant 64 : i32
    %scan3A_18 = arith.addi %scan3A_16, %scan3A_17 : i32
    %scan3A_19 = arith.constant 1 : i32
    scf.for %scan3A_32 = %scan3A_16 to %scan3A_18 step %scan3A_19  : i32 {
      %mul3A_33 = arith.constant 2 : i32
      %mul3A_34 = arith.muli %mul3A_33, %scan3A_32 : i32
      %dma_wait3A_35 = arith.constant 0 : i32
      %dma_wait3A_36 = tpu.memref_slice %arg6[%mul3A_34, %dma_wait3A_35] : memref<128x200xi32, #tpu.memory_space<vmem>> -> memref<1x200xi32, #tpu.memory_space<vmem>>
      %dma_wait3A_37 = tpu.memref_squeeze %dma_wait3A_36 : memref<1x200xi32, #tpu.memory_space<vmem>> -> memref<200xi32, #tpu.memory_space<vmem>>
      %dma_wait3A_38 = arith.constant 0 : i32
      %dma_wait3A_39 = arith.constant 0 : i32
      %dma_wait3A_40 = tpu.memref_slice %arg3[%dma_wait3A_38, %dma_wait3A_39] : memref<1000000x128xf32, #tpu.memory_space<hbm>> -> memref<1000000x128xf32, #tpu.memory_space<hbm>>
      tpu.wait_indirect_dma semaphore(%arg12 : memref<!tpu.dma_semaphore, #tpu.memory_space<semaphore_mem>>) src(%dma_wait3A_40 : memref<1000000x128xf32, #tpu.memory_space<hbm>>) dst(%arg7 : memref<200x128xf32, #tpu.memory_space<vmem>>)
      %ge3A = arith.constant 2 : i32
      %ge3A_41 = arith.cmpi sge, %mul3A_34, %ge3A : i32
      %convert_element_type3A = arith.extui %ge3A_41 : i1 to i32
      %cond3A = arith.constant 0 : i32
      %cond3A_42 = arith.cmpi ne, %convert_element_type3A, %cond3A : i32
      scf.if %cond3A_42 {
        %sub3A = arith.constant 2 : i32
        %sub3A_97 = arith.subi %mul3A_34, %sub3A : i32
        %mul3A_98 = arith.constant 200 : i32
        %mul3A_99 = arith.muli %sub3A_97, %mul3A_98 : i32
        %add3A_100 = arith.addi %mul3A_2, %mul3A_99 : i32
        %dma_wait3A_101 = arith.constant 0 : i32
        %dma_wait3A_102 = tpu.memref_slice %arg5[%add3A_100, %dma_wait3A_101] : memref<819200x128xf32, #tpu.memory_space<hbm>> -> memref<200x64xf32, #tpu.memory_space<hbm>>
        %dma_wait3A_103 = arith.constant 0 : i32
        %dma_wait3A_104 = tpu.memref_slice %arg5[%add3A_100, %dma_wait3A_103] : memref<819200x128xf32, #tpu.memory_space<hbm>> -> memref<200x64xf32, #tpu.memory_space<hbm>>
        tpu.wait_dma2 semaphore(%arg14 : memref<!tpu.dma_semaphore, #tpu.memory_space<semaphore_mem>>) src(%arg9 : memref<200x64xf32, #tpu.memory_space<vmem>>) dst(%dma_wait3A_104 : memref<200x64xf32, #tpu.memory_space<hbm>>)
      } else {
      }
      %scan3A_43 = arith.constant 0 : i32
      %scan3A_44 = arith.constant 0 : i32
      %scan3A_45 = arith.constant 200 : i32
      %scan3A_46 = arith.addi %scan3A_44, %scan3A_45 : i32
      %scan3A_47 = arith.constant 8 : i32
      scf.for %scan3A_97 = %scan3A_44 to %scan3A_46 step %scan3A_47  : i32 {
        %get3A = arith.index_cast %scan3A_97 : i32 to index
        %get3A_98 = arith.constant 0 : index
        %get3A_99 = tpu.vector_load %arg7[%get3A, %get3A_98] {strides = array<i32>} : memref<200x128xf32, #tpu.memory_space<vmem>>, vector<1x16xf32>,
        %get3A_100 = vector.shape_cast %get3A_99 : vector<1x16xf32> to vector<16xf32>
        %mul3A_101 = arith.constant 8.000000e+00 : f32
        %mul3A_102 = vector.broadcast %mul3A_101 : f32 to vector<16xf32>
        %mul3A_103 = arith.mulf %get3A_100, %mul3A_102 : vector<16xf32>
        %get3A_104 = arith.index_cast %scan3A_97 : i32 to index
        %get3A_105 = arith.constant 0 : index
        %get3A_106 = tpu.vector_load %arg11[%get3A_104, %get3A_105] {strides = array<i32>} : memref<200x64xf32, #tpu.memory_space<vmem>>, vector<1x16xf32>,
        %get3A_107 = vector.shape_cast %get3A_106 : vector<1x16xf32> to vector<16xf32>
        %add3A_108 = arith.addf %mul3A_103, %get3A_107 : vector<16xf32>
        %swap3A = arith.index_cast %scan3A_97 : i32 to index
        %swap3A_109 = arith.constant 0 : index
        %swap3A_110 = tpu.vector_load %arg9[%swap3A, %swap3A_109] {strides = array<i32>} : memref<200x64xf32, #tpu.memory_space<vmem>>, vector<1x16xf32>,
        %swap3A_111 = vector.shape_cast %swap3A_110 : vector<1x16xf32> to vector<16xf32>
        %swap3A_112 = vector.shape_cast %add3A_108 : vector<16xf32> to vector<1x16xf32>
        tpu.vector_store %arg9[%swap3A, %swap3A_109], %swap3A_112 {strides = array<i32>} : memref<200x64xf32, #tpu.memory_space<vmem>>, vector<1x16xf32>,
        %get3A_113 = arith.index_cast %scan3A_97 : i32 to index
        %get3A_114 = arith.constant 16 : index
        %get3A_115 = tpu.vector_load %arg7[%get3A_113, %get3A_114] {strides = array<i32>} : memref<200x128xf32, #tpu.memory_space<vmem>>, vector<1x16xf32>,
        %get3A_116 = vector.shape_cast %get3A_115 : vector<1x16xf32> to vector<16xf32>
        %mul3A_117 = arith.constant 8.000000e+00 : f32
        %mul3A_118 = vector.broadcast %mul3A_117 : f32 to vector<16xf32>
        %mul3A_119 = arith.mulf %get3A_116, %mul3A_118 : vector<16xf32>
        %get3A_120 = arith.index_cast %scan3A_97 : i32 to index
        %get3A_121 = arith.constant 16 : index
        %get3A_122 = tpu.vector_load %arg11[%get3A_120, %get3A_121] {strides = array<i32>} : memref<200x64xf32, #tpu.memory_space<vmem>>, vector<1x16xf32>,
        %get3A_123 = vector.shape_cast %get3A_122 : vector<1x16xf32> to vector<16xf32>
        %add3A_124 = arith.addf %mul3A_119, %get3A_123 : vector<16xf32>
        %swap3A_125 = arith.index_cast %scan3A_97 : i32 to index
        %swap3A_126 = arith.constant 16 : index
        %swap3A_127 = tpu.vector_load %arg9[%swap3A_125, %swap3A_126] {strides = array<i32>} : memref<200x64xf32, #tpu.memory_space<vmem>>, vector<1x16xf32>,
        %swap3A_128 = vector.shape_cast %swap3A_127 : vector<1x16xf32> to vector<16xf32>
        %swap3A_129 = vector.shape_cast %add3A_124 : vector<16xf32> to vector<1x16xf32>
        tpu.vector_store %arg9[%swap3A_125, %swap3A_126], %swap3A_129 {strides = array<i32>} : memref<200x64xf32, #tpu.memory_space<vmem>>, vector<1x16xf32>,
        %get3A_130 = arith.index_cast %scan3A_97 : i32 to index
        %get3A_131 = arith.constant 32 : index
        %get3A_132 = tpu.vector_load %arg7[%get3A_130, %get3A_131] {strides = array<i32>} : memref<200x128xf32, #tpu.memory_space<vmem>>, vector<1x16xf32>,
        %get3A_133 = vector.shape_cast %get3A_132 : vector<1x16xf32> to vector<16xf32>
        %mul3A_134 = arith.constant 8.000000e+00 : f32
        %mul3A_135 = vector.broadcast %mul3A_134 : f32 to vector<16xf32>
        %mul3A_136 = arith.mulf %get3A_133, %mul3A_135 : vector<16xf32>
        %get3A_137 = arith.index_cast %scan3A_97 : i32 to index
        %get3A_138 = arith.constant 32 : index
        %get3A_139 = tpu.vector_load %arg11[%get3A_137, %get3A_138] {strides = array<i32>} : memref<200x64xf32, #tpu.memory_space<vmem>>, vector<1x16xf32>,
        %get3A_140 = vector.shape_cast %get3A_139 : vector<1x16xf32> to vector<16xf32>
        %add3A_141 = arith.addf %mul3A_136, %get3A_140 : vector<16xf32>
        %swap3A_142 = arith.index_cast %scan3A_97 : i32 to index
        %swap3A_143 = arith.constant 32 : index
        %swap3A_144 = tpu.vector_load %arg9[%swap3A_142, %swap3A_143] {strides = array<i32>} : memref<200x64xf32, #tpu.memory_space<vmem>>, vector<1x16xf32>,
        %swap3A_145 = vector.shape_cast %swap3A_144 : vector<1x16xf32> to vector<16xf32>
        %swap3A_146 = vector.shape_cast %add3A_141 : vector<16xf32> to vector<1x16xf32>
        tpu.vector_store %arg9[%swap3A_142, %swap3A_143], %swap3A_146 {strides = array<i32>} : memref<200x64xf32, #tpu.memory_space<vmem>>, vector<1x16xf32>,
        %get3A_147 = arith.index_cast %scan3A_97 : i32 to index
        %get3A_148 = arith.constant 48 : index
        %get3A_149 = tpu.vector_load %arg7[%get3A_147, %get3A_148] {strides = array<i32>} : memref<200x128xf32, #tpu.memory_space<vmem>>, vector<1x16xf32>,
        %get3A_150 = vector.shape_cast %get3A_149 : vector<1x16xf32> to vector<16xf32>
        %mul3A_151 = arith.constant 8.000000e+00 : f32
        %mul3A_152 = vector.broadcast %mul3A_151 : f32 to vector<16xf32>
        %mul3A_153 = arith.mulf %get3A_150, %mul3A_152 : vector<16xf32>
        %get3A_154 = arith.index_cast %scan3A_97 : i32 to index
        %get3A_155 = arith.constant 48 : index
        %get3A_156 = tpu.vector_load %arg11[%get3A_154, %get3A_155] {strides = array<i32>} : memref<200x64xf32, #tpu.memory_space<vmem>>, vector<1x16xf32>,
        %get3A_157 = vector.shape_cast %get3A_156 : vector<1x16xf32> to vector<16xf32>
        %add3A_158 = arith.addf %mul3A_153, %get3A_157 : vector<16xf32>
        %swap3A_159 = arith.index_cast %scan3A_97 : i32 to index
        %swap3A_160 = arith.constant 48 : index
        %swap3A_161 = tpu.vector_load %arg9[%swap3A_159, %swap3A_160] {strides = array<i32>} : memref<200x64xf32, #tpu.memory_space<vmem>>, vector<1x16xf32>,
        %swap3A_162 = vector.shape_cast %swap3A_161 : vector<1x16xf32> to vector<16xf32>
        %swap3A_163 = vector.shape_cast %add3A_158 : vector<16xf32> to vector<1x16xf32>
        tpu.vector_store %arg9[%swap3A_159, %swap3A_160], %swap3A_163 {strides = array<i32>} : memref<200x64xf32, #tpu.memory_space<vmem>>, vector<1x16xf32>,
        %scan3A_164 = arith.constant 1 : i32
        %scan3A_165 = arith.addi %scan3A_97, %scan3A_164 : i32
        %get3A_166 = arith.index_cast %scan3A_165 : i32 to index
        %get3A_167 = arith.constant 0 : index
        %get3A_168 = tpu.vector_load %arg7[%get3A_166, %get3A_167] {strides = array<i32>} : memref<200x128xf32, #tpu.memory_space<vmem>>, vector<1x16xf32>,
        %get3A_169 = vector.shape_cast %get3A_168 : vector<1x16xf32> to vector<16xf32>
        %mul3A_170 = arith.constant 8.000000e+00 : f32
        %mul3A_171 = vector.broadcast %mul3A_170 : f32 to vector<16xf32>
        %mul3A_172 = arith.mulf %get3A_169, %mul3A_171 : vector<16xf32>
        %get3A_173 = arith.index_cast %scan3A_165 : i32 to index
        %get3A_174 = arith.constant 0 : index
        %get3A_175 = tpu.vector_load %arg11[%get3A_173, %get3A_174] {strides = array<i32>} : memref<200x64xf32, #tpu.memory_space<vmem>>, vector<1x16xf32>,
        %get3A_176 = vector.shape_cast %get3A_175 : vector<1x16xf32> to vector<16xf32>
        %add3A_177 = arith.addf %mul3A_172, %get3A_176 : vector<16xf32>
        %swap3A_178 = arith.index_cast %scan3A_165 : i32 to index
        %swap3A_179 = arith.constant 0 : index
        %swap3A_180 = tpu.vector_load %arg9[%swap3A_178, %swap3A_179] {strides = array<i32>} : memref<200x64xf32, #tpu.memory_space<vmem>>, vector<1x16xf32>,
        %swap3A_181 = vector.shape_cast %swap3A_180 : vector<1x16xf32> to vector<16xf32>
        %swap3A_182 = vector.shape_cast %add3A_177 : vector<16xf32> to vector<1x16xf32>
        tpu.vector_store %arg9[%swap3A_178, %swap3A_179], %swap3A_182 {strides = array<i32>} : memref<200x64xf32, #tpu.memory_space<vmem>>, vector<1x16xf32>,
        %get3A_183 = arith.index_cast %scan3A_165 : i32 to index
        %get3A_184 = arith.constant 16 : index
        %get3A_185 = tpu.vector_load %arg7[%get3A_183, %get3A_184] {strides = array<i32>} : memref<200x128xf32, #tpu.memory_space<vmem>>, vector<1x16xf32>,
        %get3A_186 = vector.shape_cast %get3A_185 : vector<1x16xf32> to vector<16xf32>
        %mul3A_187 = arith.constant 8.000000e+00 : f32
        %mul3A_188 = vector.broadcast %mul3A_187 : f32 to vector<16xf32>
        %mul3A_189 = arith.mulf %get3A_186, %mul3A_188 : vector<16xf32>
        %get3A_190 = arith.index_cast %scan3A_165 : i32 to index
        %get3A_191 = arith.constant 16 : index
        %get3A_192 = tpu.vector_load %arg11[%get3A_190, %get3A_191] {strides = array<i32>} : memref<200x64xf32, #tpu.memory_space<vmem>>, vector<1x16xf32>,
        %get3A_193 = vector.shape_cast %get3A_192 : vector<1x16xf32> to vector<16xf32>
        %add3A_194 = arith.addf %mul3A_189, %get3A_193 : vector<16xf32>
        %swap3A_195 = arith.index_cast %scan3A_165 : i32 to index
        %swap3A_196 = arith.constant 16 : index
        %swap3A_197 = tpu.vector_load %arg9[%swap3A_195, %swap3A_196] {strides = array<i32>} : memref<200x64xf32, #tpu.memory_space<vmem>>, vector<1x16xf32>,
        %swap3A_198 = vector.shape_cast %swap3A_197 : vector<1x16xf32> to vector<16xf32>
        %swap3A_199 = vector.shape_cast %add3A_194 : vector<16xf32> to vector<1x16xf32>
        tpu.vector_store %arg9[%swap3A_195, %swap3A_196], %swap3A_199 {strides = array<i32>} : memref<200x64xf32, #tpu.memory_space<vmem>>, vector<1x16xf32>,
        %get3A_200 = arith.index_cast %scan3A_165 : i32 to index
        %get3A_201 = arith.constant 32 : index
        %get3A_202 = tpu.vector_load %arg7[%get3A_200, %get3A_201] {strides = array<i32>} : memref<200x128xf32, #tpu.memory_space<vmem>>, vector<1x16xf32>,
        %get3A_203 = vector.shape_cast %get3A_202 : vector<1x16xf32> to vector<16xf32>
        %mul3A_204 = arith.constant 8.000000e+00 : f32
        %mul3A_205 = vector.broadcast %mul3A_204 : f32 to vector<16xf32>
        %mul3A_206 = arith.mulf %get3A_203, %mul3A_205 : vector<16xf32>
        %get3A_207 = arith.index_cast %scan3A_165 : i32 to index
        %get3A_208 = arith.constant 32 : index
        %get3A_209 = tpu.vector_load %arg11[%get3A_207, %get3A_208] {strides = array<i32>} : memref<200x64xf32, #tpu.memory_space<vmem>>, vector<1x16xf32>,
        %get3A_210 = vector.shape_cast %get3A_209 : vector<1x16xf32> to vector<16xf32>
        %add3A_211 = arith.addf %mul3A_206, %get3A_210 : vector<16xf32>
        %swap3A_212 = arith.index_cast %scan3A_165 : i32 to index
        %swap3A_213 = arith.constant 32 : index
        %swap3A_214 = tpu.vector_load %arg9[%swap3A_212, %swap3A_213] {strides = array<i32>} : memref<200x64xf32, #tpu.memory_space<vmem>>, vector<1x16xf32>,
        %swap3A_215 = vector.shape_cast %swap3A_214 : vector<1x16xf32> to vector<16xf32>
        %swap3A_216 = vector.shape_cast %add3A_211 : vector<16xf32> to vector<1x16xf32>
        tpu.vector_store %arg9[%swap3A_212, %swap3A_213], %swap3A_216 {strides = array<i32>} : memref<200x64xf32, #tpu.memory_space<vmem>>, vector<1x16xf32>,
        %get3A_217 = arith.index_cast %scan3A_165 : i32 to index
        %get3A_218 = arith.constant 48 : index
        %get3A_219 = tpu.vector_load %arg7[%get3A_217, %get3A_218] {strides = array<i32>} : memref<200x128xf32, #tpu.memory_space<vmem>>, vector<1x16xf32>,
        %get3A_220 = vector.shape_cast %get3A_219 : vector<1x16xf32> to vector<16xf32>
        %mul3A_221 = arith.constant 8.000000e+00 : f32
        %mul3A_222 = vector.broadcast %mul3A_221 : f32 to vector<16xf32>
        %mul3A_223 = arith.mulf %get3A_220, %mul3A_222 : vector<16xf32>
        %get3A_224 = arith.index_cast %scan3A_165 : i32 to index
        %get3A_225 = arith.constant 48 : index
        %get3A_226 = tpu.vector_load %arg11[%get3A_224, %get3A_225] {strides = array<i32>} : memref<200x64xf32, #tpu.memory_space<vmem>>, vector<1x16xf32>,
        %get3A_227 = vector.shape_cast %get3A_226 : vector<1x16xf32> to vector<16xf32>
        %add3A_228 = arith.addf %mul3A_223, %get3A_227 : vector<16xf32>
        %swap3A_229 = arith.index_cast %scan3A_165 : i32 to index
        %swap3A_230 = arith.constant 48 : index
        %swap3A_231 = tpu.vector_load %arg9[%swap3A_229, %swap3A_230] {strides = array<i32>} : memref<200x64xf32, #tpu.memory_space<vmem>>, vector<1x16xf32>,
        %swap3A_232 = vector.shape_cast %swap3A_231 : vector<1x16xf32> to vector<16xf32>
        %swap3A_233 = vector.shape_cast %add3A_228 : vector<16xf32> to vector<1x16xf32>
        tpu.vector_store %arg9[%swap3A_229, %swap3A_230], %swap3A_233 {strides = array<i32>} : memref<200x64xf32, #tpu.memory_space<vmem>>, vector<1x16xf32>,
        %scan3A_234 = arith.constant 2 : i32
        %scan3A_235 = arith.addi %scan3A_97, %scan3A_234 : i32
        %get3A_236 = arith.index_cast %scan3A_235 : i32 to index
        %get3A_237 = arith.constant 0 : index
        %get3A_238 = tpu.vector_load %arg7[%get3A_236, %get3A_237] {strides = array<i32>} : memref<200x128xf32, #tpu.memory_space<vmem>>, vector<1x16xf32>,
        %get3A_239 = vector.shape_cast %get3A_238 : vector<1x16xf32> to vector<16xf32>
        %mul3A_240 = arith.constant 8.000000e+00 : f32
        %mul3A_241 = vector.broadcast %mul3A_240 : f32 to vector<16xf32>
        %mul3A_242 = arith.mulf %get3A_239, %mul3A_241 : vector<16xf32>
        %get3A_243 = arith.index_cast %scan3A_235 : i32 to index
        %get3A_244 = arith.constant 0 : index
        %get3A_245 = tpu.vector_load %arg11[%get3A_243, %get3A_244] {strides = array<i32>} : memref<200x64xf32, #tpu.memory_space<vmem>>, vector<1x16xf32>,
        %get3A_246 = vector.shape_cast %get3A_245 : vector<1x16xf32> to vector<16xf32>
        %add3A_247 = arith.addf %mul3A_242, %get3A_246 : vector<16xf32>
        %swap3A_248 = arith.index_cast %scan3A_235 : i32 to index
        %swap3A_249 = arith.constant 0 : index
        %swap3A_250 = tpu.vector_load %arg9[%swap3A_248, %swap3A_249] {strides = array<i32>} : memref<200x64xf32, #tpu.memory_space<vmem>>, vector<1x16xf32>,
        %swap3A_251 = vector.shape_cast %swap3A_250 : vector<1x16xf32> to vector<16xf32>
        %swap3A_252 = vector.shape_cast %add3A_247 : vector<16xf32> to vector<1x16xf32>
        tpu.vector_store %arg9[%swap3A_248, %swap3A_249], %swap3A_252 {strides = array<i32>} : memref<200x64xf32, #tpu.memory_space<vmem>>, vector<1x16xf32>,
        %get3A_253 = arith.index_cast %scan3A_235 : i32 to index
        %get3A_254 = arith.constant 16 : index
        %get3A_255 = tpu.vector_load %arg7[%get3A_253, %get3A_254] {strides = array<i32>} : memref<200x128xf32, #tpu.memory_space<vmem>>, vector<1x16xf32>,
        %get3A_256 = vector.shape_cast %get3A_255 : vector<1x16xf32> to vector<16xf32>
        %mul3A_257 = arith.constant 8.000000e+00 : f32
        %mul3A_258 = vector.broadcast %mul3A_257 : f32 to vector<16xf32>
        %mul3A_259 = arith.mulf %get3A_256, %mul3A_258 : vector<16xf32>
        %get3A_260 = arith.index_cast %scan3A_235 : i32 to index
        %get3A_261 = arith.constant 16 : index
        %get3A_262 = tpu.vector_load %arg11[%get3A_260, %get3A_261] {strides = array<i32>} : memref<200x64xf32, #tpu.memory_space<vmem>>, vector<1x16xf32>,
        %get3A_263 = vector.shape_cast %get3A_262 : vector<1x16xf32> to vector<16xf32>
        %add3A_264 = arith.addf %mul3A_259, %get3A_263 : vector<16xf32>
        %swap3A_265 = arith.index_cast %scan3A_235 : i32 to index
        %swap3A_266 = arith.constant 16 : index
        %swap3A_267 = tpu.vector_load %arg9[%swap3A_265, %swap3A_266] {strides = array<i32>} : memref<200x64xf32, #tpu.memory_space<vmem>>, vector<1x16xf32>,
        %swap3A_268 = vector.shape_cast %swap3A_267 : vector<1x16xf32> to vector<16xf32>
        %swap3A_269 = vector.shape_cast %add3A_264 : vector<16xf32> to vector<1x16xf32>
        tpu.vector_store %arg9[%swap3A_265, %swap3A_266], %swap3A_269 {strides = array<i32>} : memref<200x64xf32, #tpu.memory_space<vmem>>, vector<1x16xf32>,
        %get3A_270 = arith.index_cast %scan3A_235 : i32 to index
        %get3A_271 = arith.constant 32 : index
        %get3A_272 = tpu.vector_load %arg7[%get3A_270, %get3A_271] {strides = array<i32>} : memref<200x128xf32, #tpu.memory_space<vmem>>, vector<1x16xf32>,
        %get3A_273 = vector.shape_cast %get3A_272 : vector<1x16xf32> to vector<16xf32>
        %mul3A_274 = arith.constant 8.000000e+00 : f32
        %mul3A_275 = vector.broadcast %mul3A_274 : f32 to vector<16xf32>
        %mul3A_276 = arith.mulf %get3A_273, %mul3A_275 : vector<16xf32>
        %get3A_277 = arith.index_cast %scan3A_235 : i32 to index
        %get3A_278 = arith.constant 32 : index
        %get3A_279 = tpu.vector_load %arg11[%get3A_277, %get3A_278] {strides = array<i32>} : memref<200x64xf32, #tpu.memory_space<vmem>>, vector<1x16xf32>,
        %get3A_280 = vector.shape_cast %get3A_279 : vector<1x16xf32> to vector<16xf32>
        %add3A_281 = arith.addf %mul3A_276, %get3A_280 : vector<16xf32>
        %swap3A_282 = arith.index_cast %scan3A_235 : i32 to index
        %swap3A_283 = arith.constant 32 : index
        %swap3A_284 = tpu.vector_load %arg9[%swap3A_282, %swap3A_283] {strides = array<i32>} : memref<200x64xf32, #tpu.memory_space<vmem>>, vector<1x16xf32>,
        %swap3A_285 = vector.shape_cast %swap3A_284 : vector<1x16xf32> to vector<16xf32>
        %swap3A_286 = vector.shape_cast %add3A_281 : vector<16xf32> to vector<1x16xf32>
        tpu.vector_store %arg9[%swap3A_282, %swap3A_283], %swap3A_286 {strides = array<i32>} : memref<200x64xf32, #tpu.memory_space<vmem>>, vector<1x16xf32>,
        %get3A_287 = arith.index_cast %scan3A_235 : i32 to index
        %get3A_288 = arith.constant 48 : index
        %get3A_289 = tpu.vector_load %arg7[%get3A_287, %get3A_288] {strides = array<i32>} : memref<200x128xf32, #tpu.memory_space<vmem>>, vector<1x16xf32>,
        %get3A_290 = vector.shape_cast %get3A_289 : vector<1x16xf32> to vector<16xf32>
        %mul3A_291 = arith.constant 8.000000e+00 : f32
        %mul3A_292 = vector.broadcast %mul3A_291 : f32 to vector<16xf32>
        %mul3A_293 = arith.mulf %get3A_290, %mul3A_292 : vector<16xf32>
        %get3A_294 = arith.index_cast %scan3A_235 : i32 to index
        %get3A_295 = arith.constant 48 : index
        %get3A_296 = tpu.vector_load %arg11[%get3A_294, %get3A_295] {strides = array<i32>} : memref<200x64xf32, #tpu.memory_space<vmem>>, vector<1x16xf32>,
        %get3A_297 = vector.shape_cast %get3A_296 : vector<1x16xf32> to vector<16xf32>
        %add3A_298 = arith.addf %mul3A_293, %get3A_297 : vector<16xf32>
        %swap3A_299 = arith.index_cast %scan3A_235 : i32 to index
        %swap3A_300 = arith.constant 48 : index
        %swap3A_301 = tpu.vector_load %arg9[%swap3A_299, %swap3A_300] {strides = array<i32>} : memref<200x64xf32, #tpu.memory_space<vmem>>, vector<1x16xf32>,
        %swap3A_302 = vector.shape_cast %swap3A_301 : vector<1x16xf32> to vector<16xf32>
        %swap3A_303 = vector.shape_cast %add3A_298 : vector<16xf32> to vector<1x16xf32>
        tpu.vector_store %arg9[%swap3A_299, %swap3A_300], %swap3A_303 {strides = array<i32>} : memref<200x64xf32, #tpu.memory_space<vmem>>, vector<1x16xf32>,
        %scan3A_304 = arith.constant 3 : i32
        %scan3A_305 = arith.addi %scan3A_97, %scan3A_304 : i32
        %get3A_306 = arith.index_cast %scan3A_305 : i32 to index
        %get3A_307 = arith.constant 0 : index
        %get3A_308 = tpu.vector_load %arg7[%get3A_306, %get3A_307] {strides = array<i32>} : memref<200x128xf32, #tpu.memory_space<vmem>>, vector<1x16xf32>,
        %get3A_309 = vector.shape_cast %get3A_308 : vector<1x16xf32> to vector<16xf32>
        %mul3A_310 = arith.constant 8.000000e+00 : f32
        %mul3A_311 = vector.broadcast %mul3A_310 : f32 to vector<16xf32>
        %mul3A_312 = arith.mulf %get3A_309, %mul3A_311 : vector<16xf32>
        %get3A_313 = arith.index_cast %scan3A_305 : i32 to index
        %get3A_314 = arith.constant 0 : index
        %get3A_315 = tpu.vector_load %arg11[%get3A_313, %get3A_314] {strides = array<i32>} : memref<200x64xf32, #tpu.memory_space<vmem>>, vector<1x16xf32>,
        %get3A_316 = vector.shape_cast %get3A_315 : vector<1x16xf32> to vector<16xf32>
        %add3A_317 = arith.addf %mul3A_312, %get3A_316 : vector<16xf32>
        %swap3A_318 = arith.index_cast %scan3A_305 : i32 to index
        %swap3A_319 = arith.constant 0 : index
        %swap3A_320 = tpu.vector_load %arg9[%swap3A_318, %swap3A_319] {strides = array<i32>} : memref<200x64xf32, #tpu.memory_space<vmem>>, vector<1x16xf32>,
        %swap3A_321 = vector.shape_cast %swap3A_320 : vector<1x16xf32> to vector<16xf32>
        %swap3A_322 = vector.shape_cast %add3A_317 : vector<16xf32> to vector<1x16xf32>
        tpu.vector_store %arg9[%swap3A_318, %swap3A_319], %swap3A_322 {strides = array<i32>} : memref<200x64xf32, #tpu.memory_space<vmem>>, vector<1x16xf32>,
        %get3A_323 = arith.index_cast %scan3A_305 : i32 to index
        %get3A_324 = arith.constant 16 : index
        %get3A_325 = tpu.vector_load %arg7[%get3A_323, %get3A_324] {strides = array<i32>} : memref<200x128xf32, #tpu.memory_space<vmem>>, vector<1x16xf32>,
        %get3A_326 = vector.shape_cast %get3A_325 : vector<1x16xf32> to vector<16xf32>
        %mul3A_327 = arith.constant 8.000000e+00 : f32
        %mul3A_328 = vector.broadcast %mul3A_327 : f32 to vector<16xf32>
        %mul3A_329 = arith.mulf %get3A_326, %mul3A_328 : vector<16xf32>
        %get3A_330 = arith.index_cast %scan3A_305 : i32 to index
        %get3A_331 = arith.constant 16 : index
        %get3A_332 = tpu.vector_load %arg11[%get3A_330, %get3A_331] {strides = array<i32>} : memref<200x64xf32, #tpu.memory_space<vmem>>, vector<1x16xf32>,
        %get3A_333 = vector.shape_cast %get3A_332 : vector<1x16xf32> to vector<16xf32>
        %add3A_334 = arith.addf %mul3A_329, %get3A_333 : vector<16xf32>
        %swap3A_335 = arith.index_cast %scan3A_305 : i32 to index
        %swap3A_336 = arith.constant 16 : index
        %swap3A_337 = tpu.vector_load %arg9[%swap3A_335, %swap3A_336] {strides = array<i32>} : memref<200x64xf32, #tpu.memory_space<vmem>>, vector<1x16xf32>,
        %swap3A_338 = vector.shape_cast %swap3A_337 : vector<1x16xf32> to vector<16xf32>
        %swap3A_339 = vector.shape_cast %add3A_334 : vector<16xf32> to vector<1x16xf32>
        tpu.vector_store %arg9[%swap3A_335, %swap3A_336], %swap3A_339 {strides = array<i32>} : memref<200x64xf32, #tpu.memory_space<vmem>>, vector<1x16xf32>,
        %get3A_340 = arith.index_cast %scan3A_305 : i32 to index
        %get3A_341 = arith.constant 32 : index
        %get3A_342 = tpu.vector_load %arg7[%get3A_340, %get3A_341] {strides = array<i32>} : memref<200x128xf32, #tpu.memory_space<vmem>>, vector<1x16xf32>,
        %get3A_343 = vector.shape_cast %get3A_342 : vector<1x16xf32> to vector<16xf32>
        %mul3A_344 = arith.constant 8.000000e+00 : f32
        %mul3A_345 = vector.broadcast %mul3A_344 : f32 to vector<16xf32>
        %mul3A_346 = arith.mulf %get3A_343, %mul3A_345 : vector<16xf32>
        %get3A_347 = arith.index_cast %scan3A_305 : i32 to index
        %get3A_348 = arith.constant 32 : index
        %get3A_349 = tpu.vector_load %arg11[%get3A_347, %get3A_348] {strides = array<i32>} : memref<200x64xf32, #tpu.memory_space<vmem>>, vector<1x16xf32>,
        %get3A_350 = vector.shape_cast %get3A_349 : vector<1x16xf32> to vector<16xf32>
        %add3A_351 = arith.addf %mul3A_346, %get3A_350 : vector<16xf32>
        %swap3A_352 = arith.index_cast %scan3A_305 : i32 to index
        %swap3A_353 = arith.constant 32 : index
        %swap3A_354 = tpu.vector_load %arg9[%swap3A_352, %swap3A_353] {strides = array<i32>} : memref<200x64xf32, #tpu.memory_space<vmem>>, vector<1x16xf32>,
        %swap3A_355 = vector.shape_cast %swap3A_354 : vector<1x16xf32> to vector<16xf32>
        %swap3A_356 = vector.shape_cast %add3A_351 : vector<16xf32> to vector<1x16xf32>
        tpu.vector_store %arg9[%swap3A_352, %swap3A_353], %swap3A_356 {strides = array<i32>} : memref<200x64xf32, #tpu.memory_space<vmem>>, vector<1x16xf32>,
        %get3A_357 = arith.index_cast %scan3A_305 : i32 to index
        %get3A_358 = arith.constant 48 : index
        %get3A_359 = tpu.vector_load %arg7[%get3A_357, %get3A_358] {strides = array<i32>} : memref<200x128xf32, #tpu.memory_space<vmem>>, vector<1x16xf32>,
        %get3A_360 = vector.shape_cast %get3A_359 : vector<1x16xf32> to vector<16xf32>
        %mul3A_361 = arith.constant 8.000000e+00 : f32
        %mul3A_362 = vector.broadcast %mul3A_361 : f32 to vector<16xf32>
        %mul3A_363 = arith.mulf %get3A_360, %mul3A_362 : vector<16xf32>
        %get3A_364 = arith.index_cast %scan3A_305 : i32 to index
        %get3A_365 = arith.constant 48 : index
        %get3A_366 = tpu.vector_load %arg11[%get3A_364, %get3A_365] {strides = array<i32>} : memref<200x64xf32, #tpu.memory_space<vmem>>, vector<1x16xf32>,
        %get3A_367 = vector.shape_cast %get3A_366 : vector<1x16xf32> to vector<16xf32>
        %add3A_368 = arith.addf %mul3A_363, %get3A_367 : vector<16xf32>
        %swap3A_369 = arith.index_cast %scan3A_305 : i32 to index
        %swap3A_370 = arith.constant 48 : index
        %swap3A_371 = tpu.vector_load %arg9[%swap3A_369, %swap3A_370] {strides = array<i32>} : memref<200x64xf32, #tpu.memory_space<vmem>>, vector<1x16xf32>,
        %swap3A_372 = vector.shape_cast %swap3A_371 : vector<1x16xf32> to vector<16xf32>
        %swap3A_373 = vector.shape_cast %add3A_368 : vector<16xf32> to vector<1x16xf32>
        tpu.vector_store %arg9[%swap3A_369, %swap3A_370], %swap3A_373 {strides = array<i32>} : memref<200x64xf32, #tpu.memory_space<vmem>>, vector<1x16xf32>,
        %scan3A_374 = arith.constant 4 : i32
        %scan3A_375 = arith.addi %scan3A_97, %scan3A_374 : i32
        %get3A_376 = arith.index_cast %scan3A_375 : i32 to index
        %get3A_377 = arith.constant 0 : index
        %get3A_378 = tpu.vector_load %arg7[%get3A_376, %get3A_377] {strides = array<i32>} : memref<200x128xf32, #tpu.memory_space<vmem>>, vector<1x16xf32>,
        %get3A_379 = vector.shape_cast %get3A_378 : vector<1x16xf32> to vector<16xf32>
        %mul3A_380 = arith.constant 8.000000e+00 : f32
        %mul3A_381 = vector.broadcast %mul3A_380 : f32 to vector<16xf32>
        %mul3A_382 = arith.mulf %get3A_379, %mul3A_381 : vector<16xf32>
        %get3A_383 = arith.index_cast %scan3A_375 : i32 to index
        %get3A_384 = arith.constant 0 : index
        %get3A_385 = tpu.vector_load %arg11[%get3A_383, %get3A_384] {strides = array<i32>} : memref<200x64xf32, #tpu.memory_space<vmem>>, vector<1x16xf32>,
        %get3A_386 = vector.shape_cast %get3A_385 : vector<1x16xf32> to vector<16xf32>
        %add3A_387 = arith.addf %mul3A_382, %get3A_386 : vector<16xf32>
        %swap3A_388 = arith.index_cast %scan3A_375 : i32 to index
        %swap3A_389 = arith.constant 0 : index
        %swap3A_390 = tpu.vector_load %arg9[%swap3A_388, %swap3A_389] {strides = array<i32>} : memref<200x64xf32, #tpu.memory_space<vmem>>, vector<1x16xf32>,
        %swap3A_391 = vector.shape_cast %swap3A_390 : vector<1x16xf32> to vector<16xf32>
        %swap3A_392 = vector.shape_cast %add3A_387 : vector<16xf32> to vector<1x16xf32>
        tpu.vector_store %arg9[%swap3A_388, %swap3A_389], %swap3A_392 {strides = array<i32>} : memref<200x64xf32, #tpu.memory_space<vmem>>, vector<1x16xf32>,
        %get3A_393 = arith.index_cast %scan3A_375 : i32 to index
        %get3A_394 = arith.constant 16 : index
        %get3A_395 = tpu.vector_load %arg7[%get3A_393, %get3A_394] {strides = array<i32>} : memref<200x128xf32, #tpu.memory_space<vmem>>, vector<1x16xf32>,
        %get3A_396 = vector.shape_cast %get3A_395 : vector<1x16xf32> to vector<16xf32>
        %mul3A_397 = arith.constant 8.000000e+00 : f32
        %mul3A_398 = vector.broadcast %mul3A_397 : f32 to vector<16xf32>
        %mul3A_399 = arith.mulf %get3A_396, %mul3A_398 : vector<16xf32>
        %get3A_400 = arith.index_cast %scan3A_375 : i32 to index
        %get3A_401 = arith.constant 16 : index
        %get3A_402 = tpu.vector_load %arg11[%get3A_400, %get3A_401] {strides = array<i32>} : memref<200x64xf32, #tpu.memory_space<vmem>>, vector<1x16xf32>,
        %get3A_403 = vector.shape_cast %get3A_402 : vector<1x16xf32> to vector<16xf32>
        %add3A_404 = arith.addf %mul3A_399, %get3A_403 : vector<16xf32>
        %swap3A_405 = arith.index_cast %scan3A_375 : i32 to index
        %swap3A_406 = arith.constant 16 : index
        %swap3A_407 = tpu.vector_load %arg9[%swap3A_405, %swap3A_406] {strides = array<i32>} : memref<200x64xf32, #tpu.memory_space<vmem>>, vector<1x16xf32>,
        %swap3A_408 = vector.shape_cast %swap3A_407 : vector<1x16xf32> to vector<16xf32>
        %swap3A_409 = vector.shape_cast %add3A_404 : vector<16xf32> to vector<1x16xf32>
        tpu.vector_store %arg9[%swap3A_405, %swap3A_406], %swap3A_409 {strides = array<i32>} : memref<200x64xf32, #tpu.memory_space<vmem>>, vector<1x16xf32>,
        %get3A_410 = arith.index_cast %scan3A_375 : i32 to index
        %get3A_411 = arith.constant 32 : index
        %get3A_412 = tpu.vector_load %arg7[%get3A_410, %get3A_411] {strides = array<i32>} : memref<200x128xf32, #tpu.memory_space<vmem>>, vector<1x16xf32>,
        %get3A_413 = vector.shape_cast %get3A_412 : vector<1x16xf32> to vector<16xf32>
        %mul3A_414 = arith.constant 8.000000e+00 : f32
        %mul3A_415 = vector.broadcast %mul3A_414 : f32 to vector<16xf32>
        %mul3A_416 = arith.mulf %get3A_413, %mul3A_415 : vector<16xf32>
        %get3A_417 = arith.index_cast %scan3A_375 : i32 to index
        %get3A_418 = arith.constant 32 : index
        %get3A_419 = tpu.vector_load %arg11[%get3A_417, %get3A_418] {strides = array<i32>} : memref<200x64xf32, #tpu.memory_space<vmem>>, vector<1x16xf32>,
        %get3A_420 = vector.shape_cast %get3A_419 : vector<1x16xf32> to vector<16xf32>
        %add3A_421 = arith.addf %mul3A_416, %get3A_420 : vector<16xf32>
        %swap3A_422 = arith.index_cast %scan3A_375 : i32 to index
        %swap3A_423 = arith.constant 32 : index
        %swap3A_424 = tpu.vector_load %arg9[%swap3A_422, %swap3A_423] {strides = array<i32>} : memref<200x64xf32, #tpu.memory_space<vmem>>, vector<1x16xf32>,
        %swap3A_425 = vector.shape_cast %swap3A_424 : vector<1x16xf32> to vector<16xf32>
        %swap3A_426 = vector.shape_cast %add3A_421 : vector<16xf32> to vector<1x16xf32>
        tpu.vector_store %arg9[%swap3A_422, %swap3A_423], %swap3A_426 {strides = array<i32>} : memref<200x64xf32, #tpu.memory_space<vmem>>, vector<1x16xf32>,
        %get3A_427 = arith.index_cast %scan3A_375 : i32 to index
        %get3A_428 = arith.constant 48 : index
        %get3A_429 = tpu.vector_load %arg7[%get3A_427, %get3A_428] {strides = array<i32>} : memref<200x128xf32, #tpu.memory_space<vmem>>, vector<1x16xf32>,
        %get3A_430 = vector.shape_cast %get3A_429 : vector<1x16xf32> to vector<16xf32>
        %mul3A_431 = arith.constant 8.000000e+00 : f32
        %mul3A_432 = vector.broadcast %mul3A_431 : f32 to vector<16xf32>
        %mul3A_433 = arith.mulf %get3A_430, %mul3A_432 : vector<16xf32>
        %get3A_434 = arith.index_cast %scan3A_375 : i32 to index
        %get3A_435 = arith.constant 48 : index
        %get3A_436 = tpu.vector_load %arg11[%get3A_434, %get3A_435] {strides = array<i32>} : memref<200x64xf32, #tpu.memory_space<vmem>>, vector<1x16xf32>,
        %get3A_437 = vector.shape_cast %get3A_436 : vector<1x16xf32> to vector<16xf32>
        %add3A_438 = arith.addf %mul3A_433, %get3A_437 : vector<16xf32>
        %swap3A_439 = arith.index_cast %scan3A_375 : i32 to index
        %swap3A_440 = arith.constant 48 : index
        %swap3A_441 = tpu.vector_load %arg9[%swap3A_439, %swap3A_440] {strides = array<i32>} : memref<200x64xf32, #tpu.memory_space<vmem>>, vector<1x16xf32>,
        %swap3A_442 = vector.shape_cast %swap3A_441 : vector<1x16xf32> to vector<16xf32>
        %swap3A_443 = vector.shape_cast %add3A_438 : vector<16xf32> to vector<1x16xf32>
        tpu.vector_store %arg9[%swap3A_439, %swap3A_440], %swap3A_443 {strides = array<i32>} : memref<200x64xf32, #tpu.memory_space<vmem>>, vector<1x16xf32>,
        %scan3A_444 = arith.constant 5 : i32
        %scan3A_445 = arith.addi %scan3A_97, %scan3A_444 : i32
        %get3A_446 = arith.index_cast %scan3A_445 : i32 to index
        %get3A_447 = arith.constant 0 : index
        %get3A_448 = tpu.vector_load %arg7[%get3A_446, %get3A_447] {strides = array<i32>} : memref<200x128xf32, #tpu.memory_space<vmem>>, vector<1x16xf32>,
        %get3A_449 = vector.shape_cast %get3A_448 : vector<1x16xf32> to vector<16xf32>
        %mul3A_450 = arith.constant 8.000000e+00 : f32
        %mul3A_451 = vector.broadcast %mul3A_450 : f32 to vector<16xf32>
        %mul3A_452 = arith.mulf %get3A_449, %mul3A_451 : vector<16xf32>
        %get3A_453 = arith.index_cast %scan3A_445 : i32 to index
        %get3A_454 = arith.constant 0 : index
        %get3A_455 = tpu.vector_load %arg11[%get3A_453, %get3A_454] {strides = array<i32>} : memref<200x64xf32, #tpu.memory_space<vmem>>, vector<1x16xf32>,
        %get3A_456 = vector.shape_cast %get3A_455 : vector<1x16xf32> to vector<16xf32>
        %add3A_457 = arith.addf %mul3A_452, %get3A_456 : vector<16xf32>
        %swap3A_458 = arith.index_cast %scan3A_445 : i32 to index
        %swap3A_459 = arith.constant 0 : index
        %swap3A_460 = tpu.vector_load %arg9[%swap3A_458, %swap3A_459] {strides = array<i32>} : memref<200x64xf32, #tpu.memory_space<vmem>>, vector<1x16xf32>,
        %swap3A_461 = vector.shape_cast %swap3A_460 : vector<1x16xf32> to vector<16xf32>
        %swap3A_462 = vector.shape_cast %add3A_457 : vector<16xf32> to vector<1x16xf32>
        tpu.vector_store %arg9[%swap3A_458, %swap3A_459], %swap3A_462 {strides = array<i32>} : memref<200x64xf32, #tpu.memory_space<vmem>>, vector<1x16xf32>,
        %get3A_463 = arith.index_cast %scan3A_445 : i32 to index
        %get3A_464 = arith.constant 16 : index
        %get3A_465 = tpu.vector_load %arg7[%get3A_463, %get3A_464] {strides = array<i32>} : memref<200x128xf32, #tpu.memory_space<vmem>>, vector<1x16xf32>,
        %get3A_466 = vector.shape_cast %get3A_465 : vector<1x16xf32> to vector<16xf32>
        %mul3A_467 = arith.constant 8.000000e+00 : f32
        %mul3A_468 = vector.broadcast %mul3A_467 : f32 to vector<16xf32>
        %mul3A_469 = arith.mulf %get3A_466, %mul3A_468 : vector<16xf32>
        %get3A_470 = arith.index_cast %scan3A_445 : i32 to index
        %get3A_471 = arith.constant 16 : index
        %get3A_472 = tpu.vector_load %arg11[%get3A_470, %get3A_471] {strides = array<i32>} : memref<200x64xf32, #tpu.memory_space<vmem>>, vector<1x16xf32>,
        %get3A_473 = vector.shape_cast %get3A_472 : vector<1x16xf32> to vector<16xf32>
        %add3A_474 = arith.addf %mul3A_469, %get3A_473 : vector<16xf32>
        %swap3A_475 = arith.index_cast %scan3A_445 : i32 to index
        %swap3A_476 = arith.constant 16 : index
        %swap3A_477 = tpu.vector_load %arg9[%swap3A_475, %swap3A_476] {strides = array<i32>} : memref<200x64xf32, #tpu.memory_space<vmem>>, vector<1x16xf32>,
        %swap3A_478 = vector.shape_cast %swap3A_477 : vector<1x16xf32> to vector<16xf32>
        %swap3A_479 = vector.shape_cast %add3A_474 : vector<16xf32> to vector<1x16xf32>
        tpu.vector_store %arg9[%swap3A_475, %swap3A_476], %swap3A_479 {strides = array<i32>} : memref<200x64xf32, #tpu.memory_space<vmem>>, vector<1x16xf32>,
        %get3A_480 = arith.index_cast %scan3A_445 : i32 to index
        %get3A_481 = arith.constant 32 : index
        %get3A_482 = tpu.vector_load %arg7[%get3A_480, %get3A_481] {strides = array<i32>} : memref<200x128xf32, #tpu.memory_space<vmem>>, vector<1x16xf32>,
        %get3A_483 = vector.shape_cast %get3A_482 : vector<1x16xf32> to vector<16xf32>
        %mul3A_484 = arith.constant 8.000000e+00 : f32
        %mul3A_485 = vector.broadcast %mul3A_484 : f32 to vector<16xf32>
        %mul3A_486 = arith.mulf %get3A_483, %mul3A_485 : vector<16xf32>
        %get3A_487 = arith.index_cast %scan3A_445 : i32 to index
        %get3A_488 = arith.constant 32 : index
        %get3A_489 = tpu.vector_load %arg11[%get3A_487, %get3A_488] {strides = array<i32>} : memref<200x64xf32, #tpu.memory_space<vmem>>, vector<1x16xf32>,
        %get3A_490 = vector.shape_cast %get3A_489 : vector<1x16xf32> to vector<16xf32>
        %add3A_491 = arith.addf %mul3A_486, %get3A_490 : vector<16xf32>
        %swap3A_492 = arith.index_cast %scan3A_445 : i32 to index
        %swap3A_493 = arith.constant 32 : index
        %swap3A_494 = tpu.vector_load %arg9[%swap3A_492, %swap3A_493] {strides = array<i32>} : memref<200x64xf32, #tpu.memory_space<vmem>>, vector<1x16xf32>,
        %swap3A_495 = vector.shape_cast %swap3A_494 : vector<1x16xf32> to vector<16xf32>
        %swap3A_496 = vector.shape_cast %add3A_491 : vector<16xf32> to vector<1x16xf32>
        tpu.vector_store %arg9[%swap3A_492, %swap3A_493], %swap3A_496 {strides = array<i32>} : memref<200x64xf32, #tpu.memory_space<vmem>>, vector<1x16xf32>,
        %get3A_497 = arith.index_cast %scan3A_445 : i32 to index
        %get3A_498 = arith.constant 48 : index
        %get3A_499 = tpu.vector_load %arg7[%get3A_497, %get3A_498] {strides = array<i32>} : memref<200x128xf32, #tpu.memory_space<vmem>>, vector<1x16xf32>,
        %get3A_500 = vector.shape_cast %get3A_499 : vector<1x16xf32> to vector<16xf32>
        %mul3A_501 = arith.constant 8.000000e+00 : f32
        %mul3A_502 = vector.broadcast %mul3A_501 : f32 to vector<16xf32>
        %mul3A_503 = arith.mulf %get3A_500, %mul3A_502 : vector<16xf32>
        %get3A_504 = arith.index_cast %scan3A_445 : i32 to index
        %get3A_505 = arith.constant 48 : index
        %get3A_506 = tpu.vector_load %arg11[%get3A_504, %get3A_505] {strides = array<i32>} : memref<200x64xf32, #tpu.memory_space<vmem>>, vector<1x16xf32>,
        %get3A_507 = vector.shape_cast %get3A_506 : vector<1x16xf32> to vector<16xf32>
        %add3A_508 = arith.addf %mul3A_503, %get3A_507 : vector<16xf32>
        %swap3A_509 = arith.index_cast %scan3A_445 : i32 to index
        %swap3A_510 = arith.constant 48 : index
        %swap3A_511 = tpu.vector_load %arg9[%swap3A_509, %swap3A_510] {strides = array<i32>} : memref<200x64xf32, #tpu.memory_space<vmem>>, vector<1x16xf32>,
        %swap3A_512 = vector.shape_cast %swap3A_511 : vector<1x16xf32> to vector<16xf32>
        %swap3A_513 = vector.shape_cast %add3A_508 : vector<16xf32> to vector<1x16xf32>
        tpu.vector_store %arg9[%swap3A_509, %swap3A_510], %swap3A_513 {strides = array<i32>} : memref<200x64xf32, #tpu.memory_space<vmem>>, vector<1x16xf32>,
        %scan3A_514 = arith.constant 6 : i32
        %scan3A_515 = arith.addi %scan3A_97, %scan3A_514 : i32
        %get3A_516 = arith.index_cast %scan3A_515 : i32 to index
        %get3A_517 = arith.constant 0 : index
        %get3A_518 = tpu.vector_load %arg7[%get3A_516, %get3A_517] {strides = array<i32>} : memref<200x128xf32, #tpu.memory_space<vmem>>, vector<1x16xf32>,
        %get3A_519 = vector.shape_cast %get3A_518 : vector<1x16xf32> to vector<16xf32>
        %mul3A_520 = arith.constant 8.000000e+00 : f32
        %mul3A_521 = vector.broadcast %mul3A_520 : f32 to vector<16xf32>
        %mul3A_522 = arith.mulf %get3A_519, %mul3A_521 : vector<16xf32>
        %get3A_523 = arith.index_cast %scan3A_515 : i32 to index
        %get3A_524 = arith.constant 0 : index
        %get3A_525 = tpu.vector_load %arg11[%get3A_523, %get3A_524] {strides = array<i32>} : memref<200x64xf32, #tpu.memory_space<vmem>>, vector<1x16xf32>,
        %get3A_526 = vector.shape_cast %get3A_525 : vector<1x16xf32> to vector<16xf32>
        %add3A_527 = arith.addf %mul3A_522, %get3A_526 : vector<16xf32>
        %swap3A_528 = arith.index_cast %scan3A_515 : i32 to index
        %swap3A_529 = arith.constant 0 : index
        %swap3A_530 = tpu.vector_load %arg9[%swap3A_528, %swap3A_529] {strides = array<i32>} : memref<200x64xf32, #tpu.memory_space<vmem>>, vector<1x16xf32>,
        %swap3A_531 = vector.shape_cast %swap3A_530 : vector<1x16xf32> to vector<16xf32>
        %swap3A_532 = vector.shape_cast %add3A_527 : vector<16xf32> to vector<1x16xf32>
        tpu.vector_store %arg9[%swap3A_528, %swap3A_529], %swap3A_532 {strides = array<i32>} : memref<200x64xf32, #tpu.memory_space<vmem>>, vector<1x16xf32>,
        %get3A_533 = arith.index_cast %scan3A_515 : i32 to index
        %get3A_534 = arith.constant 16 : index
        %get3A_535 = tpu.vector_load %arg7[%get3A_533, %get3A_534] {strides = array<i32>} : memref<200x128xf32, #tpu.memory_space<vmem>>, vector<1x16xf32>,
        %get3A_536 = vector.shape_cast %get3A_535 : vector<1x16xf32> to vector<16xf32>
        %mul3A_537 = arith.constant 8.000000e+00 : f32
        %mul3A_538 = vector.broadcast %mul3A_537 : f32 to vector<16xf32>
        %mul3A_539 = arith.mulf %get3A_536, %mul3A_538 : vector<16xf32>
        %get3A_540 = arith.index_cast %scan3A_515 : i32 to index
        %get3A_541 = arith.constant 16 : index
        %get3A_542 = tpu.vector_load %arg11[%get3A_540, %get3A_541] {strides = array<i32>} : memref<200x64xf32, #tpu.memory_space<vmem>>, vector<1x16xf32>,
        %get3A_543 = vector.shape_cast %get3A_542 : vector<1x16xf32> to vector<16xf32>
        %add3A_544 = arith.addf %mul3A_539, %get3A_543 : vector<16xf32>
        %swap3A_545 = arith.index_cast %scan3A_515 : i32 to index
        %swap3A_546 = arith.constant 16 : index
        %swap3A_547 = tpu.vector_load %arg9[%swap3A_545, %swap3A_546] {strides = array<i32>} : memref<200x64xf32, #tpu.memory_space<vmem>>, vector<1x16xf32>,
        %swap3A_548 = vector.shape_cast %swap3A_547 : vector<1x16xf32> to vector<16xf32>
        %swap3A_549 = vector.shape_cast %add3A_544 : vector<16xf32> to vector<1x16xf32>
        tpu.vector_store %arg9[%swap3A_545, %swap3A_546], %swap3A_549 {strides = array<i32>} : memref<200x64xf32, #tpu.memory_space<vmem>>, vector<1x16xf32>,
        %get3A_550 = arith.index_cast %scan3A_515 : i32 to index
        %get3A_551 = arith.constant 32 : index
        %get3A_552 = tpu.vector_load %arg7[%get3A_550, %get3A_551] {strides = array<i32>} : memref<200x128xf32, #tpu.memory_space<vmem>>, vector<1x16xf32>,
        %get3A_553 = vector.shape_cast %get3A_552 : vector<1x16xf32> to vector<16xf32>
        %mul3A_554 = arith.constant 8.000000e+00 : f32
        %mul3A_555 = vector.broadcast %mul3A_554 : f32 to vector<16xf32>
        %mul3A_556 = arith.mulf %get3A_553, %mul3A_555 : vector<16xf32>
        %get3A_557 = arith.index_cast %scan3A_515 : i32 to index
        %get3A_558 = arith.constant 32 : index
        %get3A_559 = tpu.vector_load %arg11[%get3A_557, %get3A_558] {strides = array<i32>} : memref<200x64xf32, #tpu.memory_space<vmem>>, vector<1x16xf32>,
        %get3A_560 = vector.shape_cast %get3A_559 : vector<1x16xf32> to vector<16xf32>
        %add3A_561 = arith.addf %mul3A_556, %get3A_560 : vector<16xf32>
        %swap3A_562 = arith.index_cast %scan3A_515 : i32 to index
        %swap3A_563 = arith.constant 32 : index
        %swap3A_564 = tpu.vector_load %arg9[%swap3A_562, %swap3A_563] {strides = array<i32>} : memref<200x64xf32, #tpu.memory_space<vmem>>, vector<1x16xf32>,
        %swap3A_565 = vector.shape_cast %swap3A_564 : vector<1x16xf32> to vector<16xf32>
        %swap3A_566 = vector.shape_cast %add3A_561 : vector<16xf32> to vector<1x16xf32>
        tpu.vector_store %arg9[%swap3A_562, %swap3A_563], %swap3A_566 {strides = array<i32>} : memref<200x64xf32, #tpu.memory_space<vmem>>, vector<1x16xf32>,
        %get3A_567 = arith.index_cast %scan3A_515 : i32 to index
        %get3A_568 = arith.constant 48 : index
        %get3A_569 = tpu.vector_load %arg7[%get3A_567, %get3A_568] {strides = array<i32>} : memref<200x128xf32, #tpu.memory_space<vmem>>, vector<1x16xf32>,
        %get3A_570 = vector.shape_cast %get3A_569 : vector<1x16xf32> to vector<16xf32>
        %mul3A_571 = arith.constant 8.000000e+00 : f32
        %mul3A_572 = vector.broadcast %mul3A_571 : f32 to vector<16xf32>
        %mul3A_573 = arith.mulf %get3A_570, %mul3A_572 : vector<16xf32>
        %get3A_574 = arith.index_cast %scan3A_515 : i32 to index
        %get3A_575 = arith.constant 48 : index
        %get3A_576 = tpu.vector_load %arg11[%get3A_574, %get3A_575] {strides = array<i32>} : memref<200x64xf32, #tpu.memory_space<vmem>>, vector<1x16xf32>,
        %get3A_577 = vector.shape_cast %get3A_576 : vector<1x16xf32> to vector<16xf32>
        %add3A_578 = arith.addf %mul3A_573, %get3A_577 : vector<16xf32>
        %swap3A_579 = arith.index_cast %scan3A_515 : i32 to index
        %swap3A_580 = arith.constant 48 : index
        %swap3A_581 = tpu.vector_load %arg9[%swap3A_579, %swap3A_580] {strides = array<i32>} : memref<200x64xf32, #tpu.memory_space<vmem>>, vector<1x16xf32>,
        %swap3A_582 = vector.shape_cast %swap3A_581 : vector<1x16xf32> to vector<16xf32>
        %swap3A_583 = vector.shape_cast %add3A_578 : vector<16xf32> to vector<1x16xf32>
        tpu.vector_store %arg9[%swap3A_579, %swap3A_580], %swap3A_583 {strides = array<i32>} : memref<200x64xf32, #tpu.memory_space<vmem>>, vector<1x16xf32>,
        %scan3A_584 = arith.constant 7 : i32
        %scan3A_585 = arith.addi %scan3A_97, %scan3A_584 : i32
        %get3A_586 = arith.index_cast %scan3A_585 : i32 to index
        %get3A_587 = arith.constant 0 : index
        %get3A_588 = tpu.vector_load %arg7[%get3A_586, %get3A_587] {strides = array<i32>} : memref<200x128xf32, #tpu.memory_space<vmem>>, vector<1x16xf32>,
        %get3A_589 = vector.shape_cast %get3A_588 : vector<1x16xf32> to vector<16xf32>
        %mul3A_590 = arith.constant 8.000000e+00 : f32
        %mul3A_591 = vector.broadcast %mul3A_590 : f32 to vector<16xf32>
        %mul3A_592 = arith.mulf %get3A_589, %mul3A_591 : vector<16xf32>
        %get3A_593 = arith.index_cast %scan3A_585 : i32 to index
        %get3A_594 = arith.constant 0 : index
        %get3A_595 = tpu.vector_load %arg11[%get3A_593, %get3A_594] {strides = array<i32>} : memref<200x64xf32, #tpu.memory_space<vmem>>, vector<1x16xf32>,
        %get3A_596 = vector.shape_cast %get3A_595 : vector<1x16xf32> to vector<16xf32>
        %add3A_597 = arith.addf %mul3A_592, %get3A_596 : vector<16xf32>
        %swap3A_598 = arith.index_cast %scan3A_585 : i32 to index
        %swap3A_599 = arith.constant 0 : index
        %swap3A_600 = tpu.vector_load %arg9[%swap3A_598, %swap3A_599] {strides = array<i32>} : memref<200x64xf32, #tpu.memory_space<vmem>>, vector<1x16xf32>,
        %swap3A_601 = vector.shape_cast %swap3A_600 : vector<1x16xf32> to vector<16xf32>
        %swap3A_602 = vector.shape_cast %add3A_597 : vector<16xf32> to vector<1x16xf32>
        tpu.vector_store %arg9[%swap3A_598, %swap3A_599], %swap3A_602 {strides = array<i32>} : memref<200x64xf32, #tpu.memory_space<vmem>>, vector<1x16xf32>,
        %get3A_603 = arith.index_cast %scan3A_585 : i32 to index
        %get3A_604 = arith.constant 16 : index
        %get3A_605 = tpu.vector_load %arg7[%get3A_603, %get3A_604] {strides = array<i32>} : memref<200x128xf32, #tpu.memory_space<vmem>>, vector<1x16xf32>,
        %get3A_606 = vector.shape_cast %get3A_605 : vector<1x16xf32> to vector<16xf32>
        %mul3A_607 = arith.constant 8.000000e+00 : f32
        %mul3A_608 = vector.broadcast %mul3A_607 : f32 to vector<16xf32>
        %mul3A_609 = arith.mulf %get3A_606, %mul3A_608 : vector<16xf32>
        %get3A_610 = arith.index_cast %scan3A_585 : i32 to index
        %get3A_611 = arith.constant 16 : index
        %get3A_612 = tpu.vector_load %arg11[%get3A_610, %get3A_611] {strides = array<i32>} : memref<200x64xf32, #tpu.memory_space<vmem>>, vector<1x16xf32>,
        %get3A_613 = vector.shape_cast %get3A_612 : vector<1x16xf32> to vector<16xf32>
        %add3A_614 = arith.addf %mul3A_609, %get3A_613 : vector<16xf32>
        %swap3A_615 = arith.index_cast %scan3A_585 : i32 to index
        %swap3A_616 = arith.constant 16 : index
        %swap3A_617 = tpu.vector_load %arg9[%swap3A_615, %swap3A_616] {strides = array<i32>} : memref<200x64xf32, #tpu.memory_space<vmem>>, vector<1x16xf32>,
        %swap3A_618 = vector.shape_cast %swap3A_617 : vector<1x16xf32> to vector<16xf32>
        %swap3A_619 = vector.shape_cast %add3A_614 : vector<16xf32> to vector<1x16xf32>
        tpu.vector_store %arg9[%swap3A_615, %swap3A_616], %swap3A_619 {strides = array<i32>} : memref<200x64xf32, #tpu.memory_space<vmem>>, vector<1x16xf32>,
        %get3A_620 = arith.index_cast %scan3A_585 : i32 to index
        %get3A_621 = arith.constant 32 : index
        %get3A_622 = tpu.vector_load %arg7[%get3A_620, %get3A_621] {strides = array<i32>} : memref<200x128xf32, #tpu.memory_space<vmem>>, vector<1x16xf32>,
        %get3A_623 = vector.shape_cast %get3A_622 : vector<1x16xf32> to vector<16xf32>
        %mul3A_624 = arith.constant 8.000000e+00 : f32
        %mul3A_625 = vector.broadcast %mul3A_624 : f32 to vector<16xf32>
        %mul3A_626 = arith.mulf %get3A_623, %mul3A_625 : vector<16xf32>
        %get3A_627 = arith.index_cast %scan3A_585 : i32 to index
        %get3A_628 = arith.constant 32 : index
        %get3A_629 = tpu.vector_load %arg11[%get3A_627, %get3A_628] {strides = array<i32>} : memref<200x64xf32, #tpu.memory_space<vmem>>, vector<1x16xf32>,
        %get3A_630 = vector.shape_cast %get3A_629 : vector<1x16xf32> to vector<16xf32>
        %add3A_631 = arith.addf %mul3A_626, %get3A_630 : vector<16xf32>
        %swap3A_632 = arith.index_cast %scan3A_585 : i32 to index
        %swap3A_633 = arith.constant 32 : index
        %swap3A_634 = tpu.vector_load %arg9[%swap3A_632, %swap3A_633] {strides = array<i32>} : memref<200x64xf32, #tpu.memory_space<vmem>>, vector<1x16xf32>,
        %swap3A_635 = vector.shape_cast %swap3A_634 : vector<1x16xf32> to vector<16xf32>
        %swap3A_636 = vector.shape_cast %add3A_631 : vector<16xf32> to vector<1x16xf32>
        tpu.vector_store %arg9[%swap3A_632, %swap3A_633], %swap3A_636 {strides = array<i32>} : memref<200x64xf32, #tpu.memory_space<vmem>>, vector<1x16xf32>,
        %get3A_637 = arith.index_cast %scan3A_585 : i32 to index
        %get3A_638 = arith.constant 48 : index
        %get3A_639 = tpu.vector_load %arg7[%get3A_637, %get3A_638] {strides = array<i32>} : memref<200x128xf32, #tpu.memory_space<vmem>>, vector<1x16xf32>,
        %get3A_640 = vector.shape_cast %get3A_639 : vector<1x16xf32> to vector<16xf32>
        %mul3A_641 = arith.constant 8.000000e+00 : f32
        %mul3A_642 = vector.broadcast %mul3A_641 : f32 to vector<16xf32>
        %mul3A_643 = arith.mulf %get3A_640, %mul3A_642 : vector<16xf32>
        %get3A_644 = arith.index_cast %scan3A_585 : i32 to index
        %get3A_645 = arith.constant 48 : index
        %get3A_646 = tpu.vector_load %arg11[%get3A_644, %get3A_645] {strides = array<i32>} : memref<200x64xf32, #tpu.memory_space<vmem>>, vector<1x16xf32>,
        %get3A_647 = vector.shape_cast %get3A_646 : vector<1x16xf32> to vector<16xf32>
        %add3A_648 = arith.addf %mul3A_643, %get3A_647 : vector<16xf32>
        %swap3A_649 = arith.index_cast %scan3A_585 : i32 to index
        %swap3A_650 = arith.constant 48 : index
        %swap3A_651 = tpu.vector_load %arg9[%swap3A_649, %swap3A_650] {strides = array<i32>} : memref<200x64xf32, #tpu.memory_space<vmem>>, vector<1x16xf32>,
        %swap3A_652 = vector.shape_cast %swap3A_651 : vector<1x16xf32> to vector<16xf32>
        %swap3A_653 = vector.shape_cast %add3A_648 : vector<16xf32> to vector<1x16xf32>
        tpu.vector_store %arg9[%swap3A_649, %swap3A_650], %swap3A_653 {strides = array<i32>} : memref<200x64xf32, #tpu.memory_space<vmem>>, vector<1x16xf32>,
      }
      %scan3A_48 = arith.constant 200 : i32
      %mul3A_49 = arith.constant 200 : i32
      %mul3A_50 = arith.muli %mul3A_34, %mul3A_49 : i32
      %add3A_51 = arith.addi %mul3A_2, %mul3A_50 : i32
      %dma_start3A_52 = arith.constant 0 : i32
      %dma_start3A_53 = tpu.memref_slice %arg5[%add3A_51, %dma_start3A_52] : memref<819200x128xf32, #tpu.memory_space<hbm>> -> memref<200x64xf32, #tpu.memory_space<hbm>>
      %dma_start3A_54 = arith.constant 0 : i32
      %dma_start3A_55 = tpu.memref_slice %arg5[%add3A_51, %dma_start3A_54] : memref<819200x128xf32, #tpu.memory_space<hbm>> -> memref<200x64xf32, #tpu.memory_space<hbm>>
      tpu.enqueue_dma source(%arg9 : memref<200x64xf32, #tpu.memory_space<vmem>>) target(%dma_start3A_55 : memref<200x64xf32, #tpu.memory_space<hbm>>) target_semaphore(%arg14 : memref<!tpu.dma_semaphore, #tpu.memory_space<semaphore_mem>>)
      %add3A_56 = arith.constant 2 : i32
      %add3A_57 = arith.addi %mul3A_34, %add3A_56 : i32
      %lt3A = arith.constant 128 : i32
      %lt3A_58 = arith.cmpi slt, %add3A_57, %lt3A : i32
      %convert_element_type3A_59 = arith.extui %lt3A_58 : i1 to i32
      %cond3A_60 = arith.constant 0 : i32
      %cond3A_61 = arith.cmpi ne, %convert_element_type3A_59, %cond3A_60 : i32
      scf.if %cond3A_61 {
        %add3A_97 = arith.constant 2 : i32
        %add3A_98 = arith.addi %mul3A_34, %add3A_97 : i32
        %dma_start3A_99 = arith.constant 0 : i32
        %dma_start3A_100 = tpu.memref_slice %arg6[%add3A_98, %dma_start3A_99] : memref<128x200xi32, #tpu.memory_space<vmem>> -> memref<1x200xi32, #tpu.memory_space<vmem>>
        %dma_start3A_101 = tpu.memref_squeeze %dma_start3A_100 : memref<1x200xi32, #tpu.memory_space<vmem>> -> memref<200xi32, #tpu.memory_space<vmem>>
        %dma_start3A_102 = arith.constant 0 : i32
        %dma_start3A_103 = arith.constant 0 : i32
        %dma_start3A_104 = tpu.memref_slice %arg3[%dma_start3A_102, %dma_start3A_103] : memref<1000000x128xf32, #tpu.memory_space<hbm>> -> memref<1000000x128xf32, #tpu.memory_space<hbm>>
        tpu.enqueue_indirect_dma source(%dma_start3A_104 : memref<1000000x128xf32, #tpu.memory_space<hbm>>) target(%arg7 : memref<200x128xf32, #tpu.memory_space<vmem>>) offsets(%dma_start3A_101 : memref<200xi32, #tpu.memory_space<vmem>>) semaphore(%arg12 : memref<!tpu.dma_semaphore, #tpu.memory_space<semaphore_mem>>)
      } else {
      }
      %mul3A_62 = arith.constant 2 : i32
      %mul3A_63 = arith.muli %mul3A_62, %scan3A_32 : i32
      %add3A_64 = arith.constant 1 : i32
      %add3A_65 = arith.addi %mul3A_63, %add3A_64 : i32
      %dma_wait3A_66 = arith.constant 0 : i32
      %dma_wait3A_67 = tpu.memref_slice %arg6[%add3A_65, %dma_wait3A_66] : memref<128x200xi32, #tpu.memory_space<vmem>> -> memref<1x200xi32, #tpu.memory_space<vmem>>
      %dma_wait3A_68 = tpu.memref_squeeze %dma_wait3A_67 : memref<1x200xi32, #tpu.memory_space<vmem>> -> memref<200xi32, #tpu.memory_space<vmem>>
      %dma_wait3A_69 = arith.constant 0 : i32
      %dma_wait3A_70 = arith.constant 0 : i32
      %dma_wait3A_71 = tpu.memref_slice %arg3[%dma_wait3A_69, %dma_wait3A_70] : memref<1000000x128xf32, #tpu.memory_space<hbm>> -> memref<1000000x128xf32, #tpu.memory_space<hbm>>
      tpu.wait_indirect_dma semaphore(%arg13 : memref<!tpu.dma_semaphore, #tpu.memory_space<semaphore_mem>>) src(%dma_wait3A_71 : memref<1000000x128xf32, #tpu.memory_space<hbm>>) dst(%arg8 : memref<200x128xf32, #tpu.memory_space<vmem>>)
      %ge3A_72 = arith.constant 2 : i32
      %ge3A_73 = arith.cmpi sge, %add3A_65, %ge3A_72 : i32
      %convert_element_type3A_74 = arith.extui %ge3A_73 : i1 to i32
      %cond3A_75 = arith.constant 0 : i32
      %cond3A_76 = arith.cmpi ne, %convert_element_type3A_74, %cond3A_75 : i32
      scf.if %cond3A_76 {
        %sub3A = arith.constant 2 : i32
        %sub3A_97 = arith.subi %add3A_65, %sub3A : i32
        %mul3A_98 = arith.constant 200 : i32
        %mul3A_99 = arith.muli %sub3A_97, %mul3A_98 : i32
        %add3A_100 = arith.addi %mul3A_2, %mul3A_99 : i32
        %dma_wait3A_101 = arith.constant 0 : i32
        %dma_wait3A_102 = tpu.memref_slice %arg5[%add3A_100, %dma_wait3A_101] : memref<819200x128xf32, #tpu.memory_space<hbm>> -> memref<200x64xf32, #tpu.memory_space<hbm>>
        %dma_wait3A_103 = arith.constant 0 : i32
        %dma_wait3A_104 = tpu.memref_slice %arg5[%add3A_100, %dma_wait3A_103] : memref<819200x128xf32, #tpu.memory_space<hbm>> -> memref<200x64xf32, #tpu.memory_space<hbm>>
        tpu.wait_dma2 semaphore(%arg15 : memref<!tpu.dma_semaphore, #tpu.memory_space<semaphore_mem>>) src(%arg10 : memref<200x64xf32, #tpu.memory_space<vmem>>) dst(%dma_wait3A_104 : memref<200x64xf32, #tpu.memory_space<hbm>>)
      } else {
      }
      %scan3A_77 = arith.constant 0 : i32
      %scan3A_78 = arith.constant 0 : i32
      %scan3A_79 = arith.constant 200 : i32
      %scan3A_80 = arith.addi %scan3A_78, %scan3A_79 : i32
      %scan3A_81 = arith.constant 8 : i32
      scf.for %scan3A_97 = %scan3A_78 to %scan3A_80 step %scan3A_81  : i32 {
        %get3A = arith.index_cast %scan3A_97 : i32 to index
        %get3A_98 = arith.constant 0 : index
        %get3A_99 = tpu.vector_load %arg8[%get3A, %get3A_98] {strides = array<i32>} : memref<200x128xf32, #tpu.memory_space<vmem>>, vector<1x16xf32>,
        %get3A_100 = vector.shape_cast %get3A_99 : vector<1x16xf32> to vector<16xf32>
        %mul3A_101 = arith.constant 8.000000e+00 : f32
        %mul3A_102 = vector.broadcast %mul3A_101 : f32 to vector<16xf32>
        %mul3A_103 = arith.mulf %get3A_100, %mul3A_102 : vector<16xf32>
        %get3A_104 = arith.index_cast %scan3A_97 : i32 to index
        %get3A_105 = arith.constant 0 : index
        %get3A_106 = tpu.vector_load %arg11[%get3A_104, %get3A_105] {strides = array<i32>} : memref<200x64xf32, #tpu.memory_space<vmem>>, vector<1x16xf32>,
        %get3A_107 = vector.shape_cast %get3A_106 : vector<1x16xf32> to vector<16xf32>
        %add3A_108 = arith.addf %mul3A_103, %get3A_107 : vector<16xf32>
        %swap3A = arith.index_cast %scan3A_97 : i32 to index
        %swap3A_109 = arith.constant 0 : index
        %swap3A_110 = tpu.vector_load %arg10[%swap3A, %swap3A_109] {strides = array<i32>} : memref<200x64xf32, #tpu.memory_space<vmem>>, vector<1x16xf32>,
        %swap3A_111 = vector.shape_cast %swap3A_110 : vector<1x16xf32> to vector<16xf32>
        %swap3A_112 = vector.shape_cast %add3A_108 : vector<16xf32> to vector<1x16xf32>
        tpu.vector_store %arg10[%swap3A, %swap3A_109], %swap3A_112 {strides = array<i32>} : memref<200x64xf32, #tpu.memory_space<vmem>>, vector<1x16xf32>,
        %get3A_113 = arith.index_cast %scan3A_97 : i32 to index
        %get3A_114 = arith.constant 16 : index
        %get3A_115 = tpu.vector_load %arg8[%get3A_113, %get3A_114] {strides = array<i32>} : memref<200x128xf32, #tpu.memory_space<vmem>>, vector<1x16xf32>,
        %get3A_116 = vector.shape_cast %get3A_115 : vector<1x16xf32> to vector<16xf32>
        %mul3A_117 = arith.constant 8.000000e+00 : f32
        %mul3A_118 = vector.broadcast %mul3A_117 : f32 to vector<16xf32>
        %mul3A_119 = arith.mulf %get3A_116, %mul3A_118 : vector<16xf32>
        %get3A_120 = arith.index_cast %scan3A_97 : i32 to index
        %get3A_121 = arith.constant 16 : index
        %get3A_122 = tpu.vector_load %arg11[%get3A_120, %get3A_121] {strides = array<i32>} : memref<200x64xf32, #tpu.memory_space<vmem>>, vector<1x16xf32>,
        %get3A_123 = vector.shape_cast %get3A_122 : vector<1x16xf32> to vector<16xf32>
        %add3A_124 = arith.addf %mul3A_119, %get3A_123 : vector<16xf32>
        %swap3A_125 = arith.index_cast %scan3A_97 : i32 to index
        %swap3A_126 = arith.constant 16 : index
        %swap3A_127 = tpu.vector_load %arg10[%swap3A_125, %swap3A_126] {strides = array<i32>} : memref<200x64xf32, #tpu.memory_space<vmem>>, vector<1x16xf32>,
        %swap3A_128 = vector.shape_cast %swap3A_127 : vector<1x16xf32> to vector<16xf32>
        %swap3A_129 = vector.shape_cast %add3A_124 : vector<16xf32> to vector<1x16xf32>
        tpu.vector_store %arg10[%swap3A_125, %swap3A_126], %swap3A_129 {strides = array<i32>} : memref<200x64xf32, #tpu.memory_space<vmem>>, vector<1x16xf32>,
        %get3A_130 = arith.index_cast %scan3A_97 : i32 to index
        %get3A_131 = arith.constant 32 : index
        %get3A_132 = tpu.vector_load %arg8[%get3A_130, %get3A_131] {strides = array<i32>} : memref<200x128xf32, #tpu.memory_space<vmem>>, vector<1x16xf32>,
        %get3A_133 = vector.shape_cast %get3A_132 : vector<1x16xf32> to vector<16xf32>
        %mul3A_134 = arith.constant 8.000000e+00 : f32
        %mul3A_135 = vector.broadcast %mul3A_134 : f32 to vector<16xf32>
        %mul3A_136 = arith.mulf %get3A_133, %mul3A_135 : vector<16xf32>
        %get3A_137 = arith.index_cast %scan3A_97 : i32 to index
        %get3A_138 = arith.constant 32 : index
        %get3A_139 = tpu.vector_load %arg11[%get3A_137, %get3A_138] {strides = array<i32>} : memref<200x64xf32, #tpu.memory_space<vmem>>, vector<1x16xf32>,
        %get3A_140 = vector.shape_cast %get3A_139 : vector<1x16xf32> to vector<16xf32>
        %add3A_141 = arith.addf %mul3A_136, %get3A_140 : vector<16xf32>
        %swap3A_142 = arith.index_cast %scan3A_97 : i32 to index
        %swap3A_143 = arith.constant 32 : index
        %swap3A_144 = tpu.vector_load %arg10[%swap3A_142, %swap3A_143] {strides = array<i32>} : memref<200x64xf32, #tpu.memory_space<vmem>>, vector<1x16xf32>,
        %swap3A_145 = vector.shape_cast %swap3A_144 : vector<1x16xf32> to vector<16xf32>
        %swap3A_146 = vector.shape_cast %add3A_141 : vector<16xf32> to vector<1x16xf32>
        tpu.vector_store %arg10[%swap3A_142, %swap3A_143], %swap3A_146 {strides = array<i32>} : memref<200x64xf32, #tpu.memory_space<vmem>>, vector<1x16xf32>,
        %get3A_147 = arith.index_cast %scan3A_97 : i32 to index
        %get3A_148 = arith.constant 48 : index
        %get3A_149 = tpu.vector_load %arg8[%get3A_147, %get3A_148] {strides = array<i32>} : memref<200x128xf32, #tpu.memory_space<vmem>>, vector<1x16xf32>,
        %get3A_150 = vector.shape_cast %get3A_149 : vector<1x16xf32> to vector<16xf32>
        %mul3A_151 = arith.constant 8.000000e+00 : f32
        %mul3A_152 = vector.broadcast %mul3A_151 : f32 to vector<16xf32>
        %mul3A_153 = arith.mulf %get3A_150, %mul3A_152 : vector<16xf32>
        %get3A_154 = arith.index_cast %scan3A_97 : i32 to index
        %get3A_155 = arith.constant 48 : index
        %get3A_156 = tpu.vector_load %arg11[%get3A_154, %get3A_155] {strides = array<i32>} : memref<200x64xf32, #tpu.memory_space<vmem>>, vector<1x16xf32>,
        %get3A_157 = vector.shape_cast %get3A_156 : vector<1x16xf32> to vector<16xf32>
        %add3A_158 = arith.addf %mul3A_153, %get3A_157 : vector<16xf32>
        %swap3A_159 = arith.index_cast %scan3A_97 : i32 to index
        %swap3A_160 = arith.constant 48 : index
        %swap3A_161 = tpu.vector_load %arg10[%swap3A_159, %swap3A_160] {strides = array<i32>} : memref<200x64xf32, #tpu.memory_space<vmem>>, vector<1x16xf32>,
        %swap3A_162 = vector.shape_cast %swap3A_161 : vector<1x16xf32> to vector<16xf32>
        %swap3A_163 = vector.shape_cast %add3A_158 : vector<16xf32> to vector<1x16xf32>
        tpu.vector_store %arg10[%swap3A_159, %swap3A_160], %swap3A_163 {strides = array<i32>} : memref<200x64xf32, #tpu.memory_space<vmem>>, vector<1x16xf32>,
        %scan3A_164 = arith.constant 1 : i32
        %scan3A_165 = arith.addi %scan3A_97, %scan3A_164 : i32
        %get3A_166 = arith.index_cast %scan3A_165 : i32 to index
        %get3A_167 = arith.constant 0 : index
        %get3A_168 = tpu.vector_load %arg8[%get3A_166, %get3A_167] {strides = array<i32>} : memref<200x128xf32, #tpu.memory_space<vmem>>, vector<1x16xf32>,
        %get3A_169 = vector.shape_cast %get3A_168 : vector<1x16xf32> to vector<16xf32>
        %mul3A_170 = arith.constant 8.000000e+00 : f32
        %mul3A_171 = vector.broadcast %mul3A_170 : f32 to vector<16xf32>
        %mul3A_172 = arith.mulf %get3A_169, %mul3A_171 : vector<16xf32>
        %get3A_173 = arith.index_cast %scan3A_165 : i32 to index
        %get3A_174 = arith.constant 0 : index
        %get3A_175 = tpu.vector_load %arg11[%get3A_173, %get3A_174] {strides = array<i32>} : memref<200x64xf32, #tpu.memory_space<vmem>>, vector<1x16xf32>,
        %get3A_176 = vector.shape_cast %get3A_175 : vector<1x16xf32> to vector<16xf32>
        %add3A_177 = arith.addf %mul3A_172, %get3A_176 : vector<16xf32>
        %swap3A_178 = arith.index_cast %scan3A_165 : i32 to index
        %swap3A_179 = arith.constant 0 : index
        %swap3A_180 = tpu.vector_load %arg10[%swap3A_178, %swap3A_179] {strides = array<i32>} : memref<200x64xf32, #tpu.memory_space<vmem>>, vector<1x16xf32>,
        %swap3A_181 = vector.shape_cast %swap3A_180 : vector<1x16xf32> to vector<16xf32>
        %swap3A_182 = vector.shape_cast %add3A_177 : vector<16xf32> to vector<1x16xf32>
        tpu.vector_store %arg10[%swap3A_178, %swap3A_179], %swap3A_182 {strides = array<i32>} : memref<200x64xf32, #tpu.memory_space<vmem>>, vector<1x16xf32>,
        %get3A_183 = arith.index_cast %scan3A_165 : i32 to index
        %get3A_184 = arith.constant 16 : index
        %get3A_185 = tpu.vector_load %arg8[%get3A_183, %get3A_184] {strides = array<i32>} : memref<200x128xf32, #tpu.memory_space<vmem>>, vector<1x16xf32>,
        %get3A_186 = vector.shape_cast %get3A_185 : vector<1x16xf32> to vector<16xf32>
        %mul3A_187 = arith.constant 8.000000e+00 : f32
        %mul3A_188 = vector.broadcast %mul3A_187 : f32 to vector<16xf32>
        %mul3A_189 = arith.mulf %get3A_186, %mul3A_188 : vector<16xf32>
        %get3A_190 = arith.index_cast %scan3A_165 : i32 to index
        %get3A_191 = arith.constant 16 : index
        %get3A_192 = tpu.vector_load %arg11[%get3A_190, %get3A_191] {strides = array<i32>} : memref<200x64xf32, #tpu.memory_space<vmem>>, vector<1x16xf32>,
        %get3A_193 = vector.shape_cast %get3A_192 : vector<1x16xf32> to vector<16xf32>
        %add3A_194 = arith.addf %mul3A_189, %get3A_193 : vector<16xf32>
        %swap3A_195 = arith.index_cast %scan3A_165 : i32 to index
        %swap3A_196 = arith.constant 16 : index
        %swap3A_197 = tpu.vector_load %arg10[%swap3A_195, %swap3A_196] {strides = array<i32>} : memref<200x64xf32, #tpu.memory_space<vmem>>, vector<1x16xf32>,
        %swap3A_198 = vector.shape_cast %swap3A_197 : vector<1x16xf32> to vector<16xf32>
        %swap3A_199 = vector.shape_cast %add3A_194 : vector<16xf32> to vector<1x16xf32>
        tpu.vector_store %arg10[%swap3A_195, %swap3A_196], %swap3A_199 {strides = array<i32>} : memref<200x64xf32, #tpu.memory_space<vmem>>, vector<1x16xf32>,
        %get3A_200 = arith.index_cast %scan3A_165 : i32 to index
        %get3A_201 = arith.constant 32 : index
        %get3A_202 = tpu.vector_load %arg8[%get3A_200, %get3A_201] {strides = array<i32>} : memref<200x128xf32, #tpu.memory_space<vmem>>, vector<1x16xf32>,
        %get3A_203 = vector.shape_cast %get3A_202 : vector<1x16xf32> to vector<16xf32>
        %mul3A_204 = arith.constant 8.000000e+00 : f32
        %mul3A_205 = vector.broadcast %mul3A_204 : f32 to vector<16xf32>
        %mul3A_206 = arith.mulf %get3A_203, %mul3A_205 : vector<16xf32>
        %get3A_207 = arith.index_cast %scan3A_165 : i32 to index
        %get3A_208 = arith.constant 32 : index
        %get3A_209 = tpu.vector_load %arg11[%get3A_207, %get3A_208] {strides = array<i32>} : memref<200x64xf32, #tpu.memory_space<vmem>>, vector<1x16xf32>,
        %get3A_210 = vector.shape_cast %get3A_209 : vector<1x16xf32> to vector<16xf32>
        %add3A_211 = arith.addf %mul3A_206, %get3A_210 : vector<16xf32>
        %swap3A_212 = arith.index_cast %scan3A_165 : i32 to index
        %swap3A_213 = arith.constant 32 : index
        %swap3A_214 = tpu.vector_load %arg10[%swap3A_212, %swap3A_213] {strides = array<i32>} : memref<200x64xf32, #tpu.memory_space<vmem>>, vector<1x16xf32>,
        %swap3A_215 = vector.shape_cast %swap3A_214 : vector<1x16xf32> to vector<16xf32>
        %swap3A_216 = vector.shape_cast %add3A_211 : vector<16xf32> to vector<1x16xf32>
        tpu.vector_store %arg10[%swap3A_212, %swap3A_213], %swap3A_216 {strides = array<i32>} : memref<200x64xf32, #tpu.memory_space<vmem>>, vector<1x16xf32>,
        %get3A_217 = arith.index_cast %scan3A_165 : i32 to index
        %get3A_218 = arith.constant 48 : index
        %get3A_219 = tpu.vector_load %arg8[%get3A_217, %get3A_218] {strides = array<i32>} : memref<200x128xf32, #tpu.memory_space<vmem>>, vector<1x16xf32>,
        %get3A_220 = vector.shape_cast %get3A_219 : vector<1x16xf32> to vector<16xf32>
        %mul3A_221 = arith.constant 8.000000e+00 : f32
        %mul3A_222 = vector.broadcast %mul3A_221 : f32 to vector<16xf32>
        %mul3A_223 = arith.mulf %get3A_220, %mul3A_222 : vector<16xf32>
        %get3A_224 = arith.index_cast %scan3A_165 : i32 to index
        %get3A_225 = arith.constant 48 : index
        %get3A_226 = tpu.vector_load %arg11[%get3A_224, %get3A_225] {strides = array<i32>} : memref<200x64xf32, #tpu.memory_space<vmem>>, vector<1x16xf32>,
        %get3A_227 = vector.shape_cast %get3A_226 : vector<1x16xf32> to vector<16xf32>
        %add3A_228 = arith.addf %mul3A_223, %get3A_227 : vector<16xf32>
        %swap3A_229 = arith.index_cast %scan3A_165 : i32 to index
        %swap3A_230 = arith.constant 48 : index
        %swap3A_231 = tpu.vector_load %arg10[%swap3A_229, %swap3A_230] {strides = array<i32>} : memref<200x64xf32, #tpu.memory_space<vmem>>, vector<1x16xf32>,
        %swap3A_232 = vector.shape_cast %swap3A_231 : vector<1x16xf32> to vector<16xf32>
        %swap3A_233 = vector.shape_cast %add3A_228 : vector<16xf32> to vector<1x16xf32>
        tpu.vector_store %arg10[%swap3A_229, %swap3A_230], %swap3A_233 {strides = array<i32>} : memref<200x64xf32, #tpu.memory_space<vmem>>, vector<1x16xf32>,
        %scan3A_234 = arith.constant 2 : i32
        %scan3A_235 = arith.addi %scan3A_97, %scan3A_234 : i32
        %get3A_236 = arith.index_cast %scan3A_235 : i32 to index
        %get3A_237 = arith.constant 0 : index
        %get3A_238 = tpu.vector_load %arg8[%get3A_236, %get3A_237] {strides = array<i32>} : memref<200x128xf32, #tpu.memory_space<vmem>>, vector<1x16xf32>,
        %get3A_239 = vector.shape_cast %get3A_238 : vector<1x16xf32> to vector<16xf32>
        %mul3A_240 = arith.constant 8.000000e+00 : f32
        %mul3A_241 = vector.broadcast %mul3A_240 : f32 to vector<16xf32>
        %mul3A_242 = arith.mulf %get3A_239, %mul3A_241 : vector<16xf32>
        %get3A_243 = arith.index_cast %scan3A_235 : i32 to index
        %get3A_244 = arith.constant 0 : index
        %get3A_245 = tpu.vector_load %arg11[%get3A_243, %get3A_244] {strides = array<i32>} : memref<200x64xf32, #tpu.memory_space<vmem>>, vector<1x16xf32>,
        %get3A_246 = vector.shape_cast %get3A_245 : vector<1x16xf32> to vector<16xf32>
        %add3A_247 = arith.addf %mul3A_242, %get3A_246 : vector<16xf32>
        %swap3A_248 = arith.index_cast %scan3A_235 : i32 to index
        %swap3A_249 = arith.constant 0 : index
        %swap3A_250 = tpu.vector_load %arg10[%swap3A_248, %swap3A_249] {strides = array<i32>} : memref<200x64xf32, #tpu.memory_space<vmem>>, vector<1x16xf32>,
        %swap3A_251 = vector.shape_cast %swap3A_250 : vector<1x16xf32> to vector<16xf32>
        %swap3A_252 = vector.shape_cast %add3A_247 : vector<16xf32> to vector<1x16xf32>
        tpu.vector_store %arg10[%swap3A_248, %swap3A_249], %swap3A_252 {strides = array<i32>} : memref<200x64xf32, #tpu.memory_space<vmem>>, vector<1x16xf32>,
        %get3A_253 = arith.index_cast %scan3A_235 : i32 to index
        %get3A_254 = arith.constant 16 : index
        %get3A_255 = tpu.vector_load %arg8[%get3A_253, %get3A_254] {strides = array<i32>} : memref<200x128xf32, #tpu.memory_space<vmem>>, vector<1x16xf32>,
        %get3A_256 = vector.shape_cast %get3A_255 : vector<1x16xf32> to vector<16xf32>
        %mul3A_257 = arith.constant 8.000000e+00 : f32
        %mul3A_258 = vector.broadcast %mul3A_257 : f32 to vector<16xf32>
        %mul3A_259 = arith.mulf %get3A_256, %mul3A_258 : vector<16xf32>
        %get3A_260 = arith.index_cast %scan3A_235 : i32 to index
        %get3A_261 = arith.constant 16 : index
        %get3A_262 = tpu.vector_load %arg11[%get3A_260, %get3A_261] {strides = array<i32>} : memref<200x64xf32, #tpu.memory_space<vmem>>, vector<1x16xf32>,
        %get3A_263 = vector.shape_cast %get3A_262 : vector<1x16xf32> to vector<16xf32>
        %add3A_264 = arith.addf %mul3A_259, %get3A_263 : vector<16xf32>
        %swap3A_265 = arith.index_cast %scan3A_235 : i32 to index
        %swap3A_266 = arith.constant 16 : index
        %swap3A_267 = tpu.vector_load %arg10[%swap3A_265, %swap3A_266] {strides = array<i32>} : memref<200x64xf32, #tpu.memory_space<vmem>>, vector<1x16xf32>,
        %swap3A_268 = vector.shape_cast %swap3A_267 : vector<1x16xf32> to vector<16xf32>
        %swap3A_269 = vector.shape_cast %add3A_264 : vector<16xf32> to vector<1x16xf32>
        tpu.vector_store %arg10[%swap3A_265, %swap3A_266], %swap3A_269 {strides = array<i32>} : memref<200x64xf32, #tpu.memory_space<vmem>>, vector<1x16xf32>,
        %get3A_270 = arith.index_cast %scan3A_235 : i32 to index
        %get3A_271 = arith.constant 32 : index
        %get3A_272 = tpu.vector_load %arg8[%get3A_270, %get3A_271] {strides = array<i32>} : memref<200x128xf32, #tpu.memory_space<vmem>>, vector<1x16xf32>,
        %get3A_273 = vector.shape_cast %get3A_272 : vector<1x16xf32> to vector<16xf32>
        %mul3A_274 = arith.constant 8.000000e+00 : f32
        %mul3A_275 = vector.broadcast %mul3A_274 : f32 to vector<16xf32>
        %mul3A_276 = arith.mulf %get3A_273, %mul3A_275 : vector<16xf32>
        %get3A_277 = arith.index_cast %scan3A_235 : i32 to index
        %get3A_278 = arith.constant 32 : index
        %get3A_279 = tpu.vector_load %arg11[%get3A_277, %get3A_278] {strides = array<i32>} : memref<200x64xf32, #tpu.memory_space<vmem>>, vector<1x16xf32>,
        %get3A_280 = vector.shape_cast %get3A_279 : vector<1x16xf32> to vector<16xf32>
        %add3A_281 = arith.addf %mul3A_276, %get3A_280 : vector<16xf32>
        %swap3A_282 = arith.index_cast %scan3A_235 : i32 to index
        %swap3A_283 = arith.constant 32 : index
        %swap3A_284 = tpu.vector_load %arg10[%swap3A_282, %swap3A_283] {strides = array<i32>} : memref<200x64xf32, #tpu.memory_space<vmem>>, vector<1x16xf32>,
        %swap3A_285 = vector.shape_cast %swap3A_284 : vector<1x16xf32> to vector<16xf32>
        %swap3A_286 = vector.shape_cast %add3A_281 : vector<16xf32> to vector<1x16xf32>
        tpu.vector_store %arg10[%swap3A_282, %swap3A_283], %swap3A_286 {strides = array<i32>} : memref<200x64xf32, #tpu.memory_space<vmem>>, vector<1x16xf32>,
        %get3A_287 = arith.index_cast %scan3A_235 : i32 to index
        %get3A_288 = arith.constant 48 : index
        %get3A_289 = tpu.vector_load %arg8[%get3A_287, %get3A_288] {strides = array<i32>} : memref<200x128xf32, #tpu.memory_space<vmem>>, vector<1x16xf32>,
        %get3A_290 = vector.shape_cast %get3A_289 : vector<1x16xf32> to vector<16xf32>
        %mul3A_291 = arith.constant 8.000000e+00 : f32
        %mul3A_292 = vector.broadcast %mul3A_291 : f32 to vector<16xf32>
        %mul3A_293 = arith.mulf %get3A_290, %mul3A_292 : vector<16xf32>
        %get3A_294 = arith.index_cast %scan3A_235 : i32 to index
        %get3A_295 = arith.constant 48 : index
        %get3A_296 = tpu.vector_load %arg11[%get3A_294, %get3A_295] {strides = array<i32>} : memref<200x64xf32, #tpu.memory_space<vmem>>, vector<1x16xf32>,
        %get3A_297 = vector.shape_cast %get3A_296 : vector<1x16xf32> to vector<16xf32>
        %add3A_298 = arith.addf %mul3A_293, %get3A_297 : vector<16xf32>
        %swap3A_299 = arith.index_cast %scan3A_235 : i32 to index
        %swap3A_300 = arith.constant 48 : index
        %swap3A_301 = tpu.vector_load %arg10[%swap3A_299, %swap3A_300] {strides = array<i32>} : memref<200x64xf32, #tpu.memory_space<vmem>>, vector<1x16xf32>,
        %swap3A_302 = vector.shape_cast %swap3A_301 : vector<1x16xf32> to vector<16xf32>
        %swap3A_303 = vector.shape_cast %add3A_298 : vector<16xf32> to vector<1x16xf32>
        tpu.vector_store %arg10[%swap3A_299, %swap3A_300], %swap3A_303 {strides = array<i32>} : memref<200x64xf32, #tpu.memory_space<vmem>>, vector<1x16xf32>,
        %scan3A_304 = arith.constant 3 : i32
        %scan3A_305 = arith.addi %scan3A_97, %scan3A_304 : i32
        %get3A_306 = arith.index_cast %scan3A_305 : i32 to index
        %get3A_307 = arith.constant 0 : index
        %get3A_308 = tpu.vector_load %arg8[%get3A_306, %get3A_307] {strides = array<i32>} : memref<200x128xf32, #tpu.memory_space<vmem>>, vector<1x16xf32>,
        %get3A_309 = vector.shape_cast %get3A_308 : vector<1x16xf32> to vector<16xf32>
        %mul3A_310 = arith.constant 8.000000e+00 : f32
        %mul3A_311 = vector.broadcast %mul3A_310 : f32 to vector<16xf32>
        %mul3A_312 = arith.mulf %get3A_309, %mul3A_311 : vector<16xf32>
        %get3A_313 = arith.index_cast %scan3A_305 : i32 to index
        %get3A_314 = arith.constant 0 : index
        %get3A_315 = tpu.vector_load %arg11[%get3A_313, %get3A_314] {strides = array<i32>} : memref<200x64xf32, #tpu.memory_space<vmem>>, vector<1x16xf32>,
        %get3A_316 = vector.shape_cast %get3A_315 : vector<1x16xf32> to vector<16xf32>
        %add3A_317 = arith.addf %mul3A_312, %get3A_316 : vector<16xf32>
        %swap3A_318 = arith.index_cast %scan3A_305 : i32 to index
        %swap3A_319 = arith.constant 0 : index
        %swap3A_320 = tpu.vector_load %arg10[%swap3A_318, %swap3A_319] {strides = array<i32>} : memref<200x64xf32, #tpu.memory_space<vmem>>, vector<1x16xf32>,
        %swap3A_321 = vector.shape_cast %swap3A_320 : vector<1x16xf32> to vector<16xf32>
        %swap3A_322 = vector.shape_cast %add3A_317 : vector<16xf32> to vector<1x16xf32>
        tpu.vector_store %arg10[%swap3A_318, %swap3A_319], %swap3A_322 {strides = array<i32>} : memref<200x64xf32, #tpu.memory_space<vmem>>, vector<1x16xf32>,
        %get3A_323 = arith.index_cast %scan3A_305 : i32 to index
        %get3A_324 = arith.constant 16 : index
        %get3A_325 = tpu.vector_load %arg8[%get3A_323, %get3A_324] {strides = array<i32>} : memref<200x128xf32, #tpu.memory_space<vmem>>, vector<1x16xf32>,
        %get3A_326 = vector.shape_cast %get3A_325 : vector<1x16xf32> to vector<16xf32>
        %mul3A_327 = arith.constant 8.000000e+00 : f32
        %mul3A_328 = vector.broadcast %mul3A_327 : f32 to vector<16xf32>
        %mul3A_329 = arith.mulf %get3A_326, %mul3A_328 : vector<16xf32>
        %get3A_330 = arith.index_cast %scan3A_305 : i32 to index
        %get3A_331 = arith.constant 16 : index
        %get3A_332 = tpu.vector_load %arg11[%get3A_330, %get3A_331] {strides = array<i32>} : memref<200x64xf32, #tpu.memory_space<vmem>>, vector<1x16xf32>,
        %get3A_333 = vector.shape_cast %get3A_332 : vector<1x16xf32> to vector<16xf32>
        %add3A_334 = arith.addf %mul3A_329, %get3A_333 : vector<16xf32>
        %swap3A_335 = arith.index_cast %scan3A_305 : i32 to index
        %swap3A_336 = arith.constant 16 : index
        %swap3A_337 = tpu.vector_load %arg10[%swap3A_335, %swap3A_336] {strides = array<i32>} : memref<200x64xf32, #tpu.memory_space<vmem>>, vector<1x16xf32>,
        %swap3A_338 = vector.shape_cast %swap3A_337 : vector<1x16xf32> to vector<16xf32>
        %swap3A_339 = vector.shape_cast %add3A_334 : vector<16xf32> to vector<1x16xf32>
        tpu.vector_store %arg10[%swap3A_335, %swap3A_336], %swap3A_339 {strides = array<i32>} : memref<200x64xf32, #tpu.memory_space<vmem>>, vector<1x16xf32>,
        %get3A_340 = arith.index_cast %scan3A_305 : i32 to index
        %get3A_341 = arith.constant 32 : index
        %get3A_342 = tpu.vector_load %arg8[%get3A_340, %get3A_341] {strides = array<i32>} : memref<200x128xf32, #tpu.memory_space<vmem>>, vector<1x16xf32>,
        %get3A_343 = vector.shape_cast %get3A_342 : vector<1x16xf32> to vector<16xf32>
        %mul3A_344 = arith.constant 8.000000e+00 : f32
        %mul3A_345 = vector.broadcast %mul3A_344 : f32 to vector<16xf32>
        %mul3A_346 = arith.mulf %get3A_343, %mul3A_345 : vector<16xf32>
        %get3A_347 = arith.index_cast %scan3A_305 : i32 to index
        %get3A_348 = arith.constant 32 : index
        %get3A_349 = tpu.vector_load %arg11[%get3A_347, %get3A_348] {strides = array<i32>} : memref<200x64xf32, #tpu.memory_space<vmem>>, vector<1x16xf32>,
        %get3A_350 = vector.shape_cast %get3A_349 : vector<1x16xf32> to vector<16xf32>
        %add3A_351 = arith.addf %mul3A_346, %get3A_350 : vector<16xf32>
        %swap3A_352 = arith.index_cast %scan3A_305 : i32 to index
        %swap3A_353 = arith.constant 32 : index
        %swap3A_354 = tpu.vector_load %arg10[%swap3A_352, %swap3A_353] {strides = array<i32>} : memref<200x64xf32, #tpu.memory_space<vmem>>, vector<1x16xf32>,
        %swap3A_355 = vector.shape_cast %swap3A_354 : vector<1x16xf32> to vector<16xf32>
        %swap3A_356 = vector.shape_cast %add3A_351 : vector<16xf32> to vector<1x16xf32>
        tpu.vector_store %arg10[%swap3A_352, %swap3A_353], %swap3A_356 {strides = array<i32>} : memref<200x64xf32, #tpu.memory_space<vmem>>, vector<1x16xf32>,
        %get3A_357 = arith.index_cast %scan3A_305 : i32 to index
        %get3A_358 = arith.constant 48 : index
        %get3A_359 = tpu.vector_load %arg8[%get3A_357, %get3A_358] {strides = array<i32>} : memref<200x128xf32, #tpu.memory_space<vmem>>, vector<1x16xf32>,
        %get3A_360 = vector.shape_cast %get3A_359 : vector<1x16xf32> to vector<16xf32>
        %mul3A_361 = arith.constant 8.000000e+00 : f32
        %mul3A_362 = vector.broadcast %mul3A_361 : f32 to vector<16xf32>
        %mul3A_363 = arith.mulf %get3A_360, %mul3A_362 : vector<16xf32>
        %get3A_364 = arith.index_cast %scan3A_305 : i32 to index
        %get3A_365 = arith.constant 48 : index
        %get3A_366 = tpu.vector_load %arg11[%get3A_364, %get3A_365] {strides = array<i32>} : memref<200x64xf32, #tpu.memory_space<vmem>>, vector<1x16xf32>,
        %get3A_367 = vector.shape_cast %get3A_366 : vector<1x16xf32> to vector<16xf32>
        %add3A_368 = arith.addf %mul3A_363, %get3A_367 : vector<16xf32>
        %swap3A_369 = arith.index_cast %scan3A_305 : i32 to index
        %swap3A_370 = arith.constant 48 : index
        %swap3A_371 = tpu.vector_load %arg10[%swap3A_369, %swap3A_370] {strides = array<i32>} : memref<200x64xf32, #tpu.memory_space<vmem>>, vector<1x16xf32>,
        %swap3A_372 = vector.shape_cast %swap3A_371 : vector<1x16xf32> to vector<16xf32>
        %swap3A_373 = vector.shape_cast %add3A_368 : vector<16xf32> to vector<1x16xf32>
        tpu.vector_store %arg10[%swap3A_369, %swap3A_370], %swap3A_373 {strides = array<i32>} : memref<200x64xf32, #tpu.memory_space<vmem>>, vector<1x16xf32>,
        %scan3A_374 = arith.constant 4 : i32
        %scan3A_375 = arith.addi %scan3A_97, %scan3A_374 : i32
        %get3A_376 = arith.index_cast %scan3A_375 : i32 to index
        %get3A_377 = arith.constant 0 : index
        %get3A_378 = tpu.vector_load %arg8[%get3A_376, %get3A_377] {strides = array<i32>} : memref<200x128xf32, #tpu.memory_space<vmem>>, vector<1x16xf32>,
        %get3A_379 = vector.shape_cast %get3A_378 : vector<1x16xf32> to vector<16xf32>
        %mul3A_380 = arith.constant 8.000000e+00 : f32
        %mul3A_381 = vector.broadcast %mul3A_380 : f32 to vector<16xf32>
        %mul3A_382 = arith.mulf %get3A_379, %mul3A_381 : vector<16xf32>
        %get3A_383 = arith.index_cast %scan3A_375 : i32 to index
        %get3A_384 = arith.constant 0 : index
        %get3A_385 = tpu.vector_load %arg11[%get3A_383, %get3A_384] {strides = array<i32>} : memref<200x64xf32, #tpu.memory_space<vmem>>, vector<1x16xf32>,
        %get3A_386 = vector.shape_cast %get3A_385 : vector<1x16xf32> to vector<16xf32>
        %add3A_387 = arith.addf %mul3A_382, %get3A_386 : vector<16xf32>
        %swap3A_388 = arith.index_cast %scan3A_375 : i32 to index
        %swap3A_389 = arith.constant 0 : index
        %swap3A_390 = tpu.vector_load %arg10[%swap3A_388, %swap3A_389] {strides = array<i32>} : memref<200x64xf32, #tpu.memory_space<vmem>>, vector<1x16xf32>,
        %swap3A_391 = vector.shape_cast %swap3A_390 : vector<1x16xf32> to vector<16xf32>
        %swap3A_392 = vector.shape_cast %add3A_387 : vector<16xf32> to vector<1x16xf32>
        tpu.vector_store %arg10[%swap3A_388, %swap3A_389], %swap3A_392 {strides = array<i32>} : memref<200x64xf32, #tpu.memory_space<vmem>>, vector<1x16xf32>,
        %get3A_393 = arith.index_cast %scan3A_375 : i32 to index
        %get3A_394 = arith.constant 16 : index
        %get3A_395 = tpu.vector_load %arg8[%get3A_393, %get3A_394] {strides = array<i32>} : memref<200x128xf32, #tpu.memory_space<vmem>>, vector<1x16xf32>,
        %get3A_396 = vector.shape_cast %get3A_395 : vector<1x16xf32> to vector<16xf32>
        %mul3A_397 = arith.constant 8.000000e+00 : f32
        %mul3A_398 = vector.broadcast %mul3A_397 : f32 to vector<16xf32>
        %mul3A_399 = arith.mulf %get3A_396, %mul3A_398 : vector<16xf32>
        %get3A_400 = arith.index_cast %scan3A_375 : i32 to index
        %get3A_401 = arith.constant 16 : index
        %get3A_402 = tpu.vector_load %arg11[%get3A_400, %get3A_401] {strides = array<i32>} : memref<200x64xf32, #tpu.memory_space<vmem>>, vector<1x16xf32>,
        %get3A_403 = vector.shape_cast %get3A_402 : vector<1x16xf32> to vector<16xf32>
        %add3A_404 = arith.addf %mul3A_399, %get3A_403 : vector<16xf32>
        %swap3A_405 = arith.index_cast %scan3A_375 : i32 to index
        %swap3A_406 = arith.constant 16 : index
        %swap3A_407 = tpu.vector_load %arg10[%swap3A_405, %swap3A_406] {strides = array<i32>} : memref<200x64xf32, #tpu.memory_space<vmem>>, vector<1x16xf32>,
        %swap3A_408 = vector.shape_cast %swap3A_407 : vector<1x16xf32> to vector<16xf32>
        %swap3A_409 = vector.shape_cast %add3A_404 : vector<16xf32> to vector<1x16xf32>
        tpu.vector_store %arg10[%swap3A_405, %swap3A_406], %swap3A_409 {strides = array<i32>} : memref<200x64xf32, #tpu.memory_space<vmem>>, vector<1x16xf32>,
        %get3A_410 = arith.index_cast %scan3A_375 : i32 to index
        %get3A_411 = arith.constant 32 : index
        %get3A_412 = tpu.vector_load %arg8[%get3A_410, %get3A_411] {strides = array<i32>} : memref<200x128xf32, #tpu.memory_space<vmem>>, vector<1x16xf32>,
        %get3A_413 = vector.shape_cast %get3A_412 : vector<1x16xf32> to vector<16xf32>
        %mul3A_414 = arith.constant 8.000000e+00 : f32
        %mul3A_415 = vector.broadcast %mul3A_414 : f32 to vector<16xf32>
        %mul3A_416 = arith.mulf %get3A_413, %mul3A_415 : vector<16xf32>
        %get3A_417 = arith.index_cast %scan3A_375 : i32 to index
        %get3A_418 = arith.constant 32 : index
        %get3A_419 = tpu.vector_load %arg11[%get3A_417, %get3A_418] {strides = array<i32>} : memref<200x64xf32, #tpu.memory_space<vmem>>, vector<1x16xf32>,
        %get3A_420 = vector.shape_cast %get3A_419 : vector<1x16xf32> to vector<16xf32>
        %add3A_421 = arith.addf %mul3A_416, %get3A_420 : vector<16xf32>
        %swap3A_422 = arith.index_cast %scan3A_375 : i32 to index
        %swap3A_423 = arith.constant 32 : index
        %swap3A_424 = tpu.vector_load %arg10[%swap3A_422, %swap3A_423] {strides = array<i32>} : memref<200x64xf32, #tpu.memory_space<vmem>>, vector<1x16xf32>,
        %swap3A_425 = vector.shape_cast %swap3A_424 : vector<1x16xf32> to vector<16xf32>
        %swap3A_426 = vector.shape_cast %add3A_421 : vector<16xf32> to vector<1x16xf32>
        tpu.vector_store %arg10[%swap3A_422, %swap3A_423], %swap3A_426 {strides = array<i32>} : memref<200x64xf32, #tpu.memory_space<vmem>>, vector<1x16xf32>,
        %get3A_427 = arith.index_cast %scan3A_375 : i32 to index
        %get3A_428 = arith.constant 48 : index
        %get3A_429 = tpu.vector_load %arg8[%get3A_427, %get3A_428] {strides = array<i32>} : memref<200x128xf32, #tpu.memory_space<vmem>>, vector<1x16xf32>,
        %get3A_430 = vector.shape_cast %get3A_429 : vector<1x16xf32> to vector<16xf32>
        %mul3A_431 = arith.constant 8.000000e+00 : f32
        %mul3A_432 = vector.broadcast %mul3A_431 : f32 to vector<16xf32>
        %mul3A_433 = arith.mulf %get3A_430, %mul3A_432 : vector<16xf32>
        %get3A_434 = arith.index_cast %scan3A_375 : i32 to index
        %get3A_435 = arith.constant 48 : index
        %get3A_436 = tpu.vector_load %arg11[%get3A_434, %get3A_435] {strides = array<i32>} : memref<200x64xf32, #tpu.memory_space<vmem>>, vector<1x16xf32>,
        %get3A_437 = vector.shape_cast %get3A_436 : vector<1x16xf32> to vector<16xf32>
        %add3A_438 = arith.addf %mul3A_433, %get3A_437 : vector<16xf32>
        %swap3A_439 = arith.index_cast %scan3A_375 : i32 to index
        %swap3A_440 = arith.constant 48 : index
        %swap3A_441 = tpu.vector_load %arg10[%swap3A_439, %swap3A_440] {strides = array<i32>} : memref<200x64xf32, #tpu.memory_space<vmem>>, vector<1x16xf32>,
        %swap3A_442 = vector.shape_cast %swap3A_441 : vector<1x16xf32> to vector<16xf32>
        %swap3A_443 = vector.shape_cast %add3A_438 : vector<16xf32> to vector<1x16xf32>
        tpu.vector_store %arg10[%swap3A_439, %swap3A_440], %swap3A_443 {strides = array<i32>} : memref<200x64xf32, #tpu.memory_space<vmem>>, vector<1x16xf32>,
        %scan3A_444 = arith.constant 5 : i32
        %scan3A_445 = arith.addi %scan3A_97, %scan3A_444 : i32
        %get3A_446 = arith.index_cast %scan3A_445 : i32 to index
        %get3A_447 = arith.constant 0 : index
        %get3A_448 = tpu.vector_load %arg8[%get3A_446, %get3A_447] {strides = array<i32>} : memref<200x128xf32, #tpu.memory_space<vmem>>, vector<1x16xf32>,
        %get3A_449 = vector.shape_cast %get3A_448 : vector<1x16xf32> to vector<16xf32>
        %mul3A_450 = arith.constant 8.000000e+00 : f32
        %mul3A_451 = vector.broadcast %mul3A_450 : f32 to vector<16xf32>
        %mul3A_452 = arith.mulf %get3A_449, %mul3A_451 : vector<16xf32>
        %get3A_453 = arith.index_cast %scan3A_445 : i32 to index
        %get3A_454 = arith.constant 0 : index
        %get3A_455 = tpu.vector_load %arg11[%get3A_453, %get3A_454] {strides = array<i32>} : memref<200x64xf32, #tpu.memory_space<vmem>>, vector<1x16xf32>,
        %get3A_456 = vector.shape_cast %get3A_455 : vector<1x16xf32> to vector<16xf32>
        %add3A_457 = arith.addf %mul3A_452, %get3A_456 : vector<16xf32>
        %swap3A_458 = arith.index_cast %scan3A_445 : i32 to index
        %swap3A_459 = arith.constant 0 : index
        %swap3A_460 = tpu.vector_load %arg10[%swap3A_458, %swap3A_459] {strides = array<i32>} : memref<200x64xf32, #tpu.memory_space<vmem>>, vector<1x16xf32>,
        %swap3A_461 = vector.shape_cast %swap3A_460 : vector<1x16xf32> to vector<16xf32>
        %swap3A_462 = vector.shape_cast %add3A_457 : vector<16xf32> to vector<1x16xf32>
        tpu.vector_store %arg10[%swap3A_458, %swap3A_459], %swap3A_462 {strides = array<i32>} : memref<200x64xf32, #tpu.memory_space<vmem>>, vector<1x16xf32>,
        %get3A_463 = arith.index_cast %scan3A_445 : i32 to index
        %get3A_464 = arith.constant 16 : index
        %get3A_465 = tpu.vector_load %arg8[%get3A_463, %get3A_464] {strides = array<i32>} : memref<200x128xf32, #tpu.memory_space<vmem>>, vector<1x16xf32>,
        %get3A_466 = vector.shape_cast %get3A_465 : vector<1x16xf32> to vector<16xf32>
        %mul3A_467 = arith.constant 8.000000e+00 : f32
        %mul3A_468 = vector.broadcast %mul3A_467 : f32 to vector<16xf32>
        %mul3A_469 = arith.mulf %get3A_466, %mul3A_468 : vector<16xf32>
        %get3A_470 = arith.index_cast %scan3A_445 : i32 to index
        %get3A_471 = arith.constant 16 : index
        %get3A_472 = tpu.vector_load %arg11[%get3A_470, %get3A_471] {strides = array<i32>} : memref<200x64xf32, #tpu.memory_space<vmem>>, vector<1x16xf32>,
        %get3A_473 = vector.shape_cast %get3A_472 : vector<1x16xf32> to vector<16xf32>
        %add3A_474 = arith.addf %mul3A_469, %get3A_473 : vector<16xf32>
        %swap3A_475 = arith.index_cast %scan3A_445 : i32 to index
        %swap3A_476 = arith.constant 16 : index
        %swap3A_477 = tpu.vector_load %arg10[%swap3A_475, %swap3A_476] {strides = array<i32>} : memref<200x64xf32, #tpu.memory_space<vmem>>, vector<1x16xf32>,
        %swap3A_478 = vector.shape_cast %swap3A_477 : vector<1x16xf32> to vector<16xf32>
        %swap3A_479 = vector.shape_cast %add3A_474 : vector<16xf32> to vector<1x16xf32>
        tpu.vector_store %arg10[%swap3A_475, %swap3A_476], %swap3A_479 {strides = array<i32>} : memref<200x64xf32, #tpu.memory_space<vmem>>, vector<1x16xf32>,
        %get3A_480 = arith.index_cast %scan3A_445 : i32 to index
        %get3A_481 = arith.constant 32 : index
        %get3A_482 = tpu.vector_load %arg8[%get3A_480, %get3A_481] {strides = array<i32>} : memref<200x128xf32, #tpu.memory_space<vmem>>, vector<1x16xf32>,
        %get3A_483 = vector.shape_cast %get3A_482 : vector<1x16xf32> to vector<16xf32>
        %mul3A_484 = arith.constant 8.000000e+00 : f32
        %mul3A_485 = vector.broadcast %mul3A_484 : f32 to vector<16xf32>
        %mul3A_486 = arith.mulf %get3A_483, %mul3A_485 : vector<16xf32>
        %get3A_487 = arith.index_cast %scan3A_445 : i32 to index
        %get3A_488 = arith.constant 32 : index
        %get3A_489 = tpu.vector_load %arg11[%get3A_487, %get3A_488] {strides = array<i32>} : memref<200x64xf32, #tpu.memory_space<vmem>>, vector<1x16xf32>,
        %get3A_490 = vector.shape_cast %get3A_489 : vector<1x16xf32> to vector<16xf32>
        %add3A_491 = arith.addf %mul3A_486, %get3A_490 : vector<16xf32>
        %swap3A_492 = arith.index_cast %scan3A_445 : i32 to index
        %swap3A_493 = arith.constant 32 : index
        %swap3A_494 = tpu.vector_load %arg10[%swap3A_492, %swap3A_493] {strides = array<i32>} : memref<200x64xf32, #tpu.memory_space<vmem>>, vector<1x16xf32>,
        %swap3A_495 = vector.shape_cast %swap3A_494 : vector<1x16xf32> to vector<16xf32>
        %swap3A_496 = vector.shape_cast %add3A_491 : vector<16xf32> to vector<1x16xf32>
        tpu.vector_store %arg10[%swap3A_492, %swap3A_493], %swap3A_496 {strides = array<i32>} : memref<200x64xf32, #tpu.memory_space<vmem>>, vector<1x16xf32>,
        %get3A_497 = arith.index_cast %scan3A_445 : i32 to index
        %get3A_498 = arith.constant 48 : index
        %get3A_499 = tpu.vector_load %arg8[%get3A_497, %get3A_498] {strides = array<i32>} : memref<200x128xf32, #tpu.memory_space<vmem>>, vector<1x16xf32>,
        %get3A_500 = vector.shape_cast %get3A_499 : vector<1x16xf32> to vector<16xf32>
        %mul3A_501 = arith.constant 8.000000e+00 : f32
        %mul3A_502 = vector.broadcast %mul3A_501 : f32 to vector<16xf32>
        %mul3A_503 = arith.mulf %get3A_500, %mul3A_502 : vector<16xf32>
        %get3A_504 = arith.index_cast %scan3A_445 : i32 to index
        %get3A_505 = arith.constant 48 : index
        %get3A_506 = tpu.vector_load %arg11[%get3A_504, %get3A_505] {strides = array<i32>} : memref<200x64xf32, #tpu.memory_space<vmem>>, vector<1x16xf32>,
        %get3A_507 = vector.shape_cast %get3A_506 : vector<1x16xf32> to vector<16xf32>
        %add3A_508 = arith.addf %mul3A_503, %get3A_507 : vector<16xf32>
        %swap3A_509 = arith.index_cast %scan3A_445 : i32 to index
        %swap3A_510 = arith.constant 48 : index
        %swap3A_511 = tpu.vector_load %arg10[%swap3A_509, %swap3A_510] {strides = array<i32>} : memref<200x64xf32, #tpu.memory_space<vmem>>, vector<1x16xf32>,
        %swap3A_512 = vector.shape_cast %swap3A_511 : vector<1x16xf32> to vector<16xf32>
        %swap3A_513 = vector.shape_cast %add3A_508 : vector<16xf32> to vector<1x16xf32>
        tpu.vector_store %arg10[%swap3A_509, %swap3A_510], %swap3A_513 {strides = array<i32>} : memref<200x64xf32, #tpu.memory_space<vmem>>, vector<1x16xf32>,
        %scan3A_514 = arith.constant 6 : i32
        %scan3A_515 = arith.addi %scan3A_97, %scan3A_514 : i32
        %get3A_516 = arith.index_cast %scan3A_515 : i32 to index
        %get3A_517 = arith.constant 0 : index
        %get3A_518 = tpu.vector_load %arg8[%get3A_516, %get3A_517] {strides = array<i32>} : memref<200x128xf32, #tpu.memory_space<vmem>>, vector<1x16xf32>,
        %get3A_519 = vector.shape_cast %get3A_518 : vector<1x16xf32> to vector<16xf32>
        %mul3A_520 = arith.constant 8.000000e+00 : f32
        %mul3A_521 = vector.broadcast %mul3A_520 : f32 to vector<16xf32>
        %mul3A_522 = arith.mulf %get3A_519, %mul3A_521 : vector<16xf32>
        %get3A_523 = arith.index_cast %scan3A_515 : i32 to index
        %get3A_524 = arith.constant 0 : index
        %get3A_525 = tpu.vector_load %arg11[%get3A_523, %get3A_524] {strides = array<i32>} : memref<200x64xf32, #tpu.memory_space<vmem>>, vector<1x16xf32>,
        %get3A_526 = vector.shape_cast %get3A_525 : vector<1x16xf32> to vector<16xf32>
        %add3A_527 = arith.addf %mul3A_522, %get3A_526 : vector<16xf32>
        %swap3A_528 = arith.index_cast %scan3A_515 : i32 to index
        %swap3A_529 = arith.constant 0 : index
        %swap3A_530 = tpu.vector_load %arg10[%swap3A_528, %swap3A_529] {strides = array<i32>} : memref<200x64xf32, #tpu.memory_space<vmem>>, vector<1x16xf32>,
        %swap3A_531 = vector.shape_cast %swap3A_530 : vector<1x16xf32> to vector<16xf32>
        %swap3A_532 = vector.shape_cast %add3A_527 : vector<16xf32> to vector<1x16xf32>
        tpu.vector_store %arg10[%swap3A_528, %swap3A_529], %swap3A_532 {strides = array<i32>} : memref<200x64xf32, #tpu.memory_space<vmem>>, vector<1x16xf32>,
        %get3A_533 = arith.index_cast %scan3A_515 : i32 to index
        %get3A_534 = arith.constant 16 : index
        %get3A_535 = tpu.vector_load %arg8[%get3A_533, %get3A_534] {strides = array<i32>} : memref<200x128xf32, #tpu.memory_space<vmem>>, vector<1x16xf32>,
        %get3A_536 = vector.shape_cast %get3A_535 : vector<1x16xf32> to vector<16xf32>
        %mul3A_537 = arith.constant 8.000000e+00 : f32
        %mul3A_538 = vector.broadcast %mul3A_537 : f32 to vector<16xf32>
        %mul3A_539 = arith.mulf %get3A_536, %mul3A_538 : vector<16xf32>
        %get3A_540 = arith.index_cast %scan3A_515 : i32 to index
        %get3A_541 = arith.constant 16 : index
        %get3A_542 = tpu.vector_load %arg11[%get3A_540, %get3A_541] {strides = array<i32>} : memref<200x64xf32, #tpu.memory_space<vmem>>, vector<1x16xf32>,
        %get3A_543 = vector.shape_cast %get3A_542 : vector<1x16xf32> to vector<16xf32>
        %add3A_544 = arith.addf %mul3A_539, %get3A_543 : vector<16xf32>
        %swap3A_545 = arith.index_cast %scan3A_515 : i32 to index
        %swap3A_546 = arith.constant 16 : index
        %swap3A_547 = tpu.vector_load %arg10[%swap3A_545, %swap3A_546] {strides = array<i32>} : memref<200x64xf32, #tpu.memory_space<vmem>>, vector<1x16xf32>,
        %swap3A_548 = vector.shape_cast %swap3A_547 : vector<1x16xf32> to vector<16xf32>
        %swap3A_549 = vector.shape_cast %add3A_544 : vector<16xf32> to vector<1x16xf32>
        tpu.vector_store %arg10[%swap3A_545, %swap3A_546], %swap3A_549 {strides = array<i32>} : memref<200x64xf32, #tpu.memory_space<vmem>>, vector<1x16xf32>,
        %get3A_550 = arith.index_cast %scan3A_515 : i32 to index
        %get3A_551 = arith.constant 32 : index
        %get3A_552 = tpu.vector_load %arg8[%get3A_550, %get3A_551] {strides = array<i32>} : memref<200x128xf32, #tpu.memory_space<vmem>>, vector<1x16xf32>,
        %get3A_553 = vector.shape_cast %get3A_552 : vector<1x16xf32> to vector<16xf32>
        %mul3A_554 = arith.constant 8.000000e+00 : f32
        %mul3A_555 = vector.broadcast %mul3A_554 : f32 to vector<16xf32>
        %mul3A_556 = arith.mulf %get3A_553, %mul3A_555 : vector<16xf32>
        %get3A_557 = arith.index_cast %scan3A_515 : i32 to index
        %get3A_558 = arith.constant 32 : index
        %get3A_559 = tpu.vector_load %arg11[%get3A_557, %get3A_558] {strides = array<i32>} : memref<200x64xf32, #tpu.memory_space<vmem>>, vector<1x16xf32>,
        %get3A_560 = vector.shape_cast %get3A_559 : vector<1x16xf32> to vector<16xf32>
        %add3A_561 = arith.addf %mul3A_556, %get3A_560 : vector<16xf32>
        %swap3A_562 = arith.index_cast %scan3A_515 : i32 to index
        %swap3A_563 = arith.constant 32 : index
        %swap3A_564 = tpu.vector_load %arg10[%swap3A_562, %swap3A_563] {strides = array<i32>} : memref<200x64xf32, #tpu.memory_space<vmem>>, vector<1x16xf32>,
        %swap3A_565 = vector.shape_cast %swap3A_564 : vector<1x16xf32> to vector<16xf32>
        %swap3A_566 = vector.shape_cast %add3A_561 : vector<16xf32> to vector<1x16xf32>
        tpu.vector_store %arg10[%swap3A_562, %swap3A_563], %swap3A_566 {strides = array<i32>} : memref<200x64xf32, #tpu.memory_space<vmem>>, vector<1x16xf32>,
        %get3A_567 = arith.index_cast %scan3A_515 : i32 to index
        %get3A_568 = arith.constant 48 : index
        %get3A_569 = tpu.vector_load %arg8[%get3A_567, %get3A_568] {strides = array<i32>} : memref<200x128xf32, #tpu.memory_space<vmem>>, vector<1x16xf32>,
        %get3A_570 = vector.shape_cast %get3A_569 : vector<1x16xf32> to vector<16xf32>
        %mul3A_571 = arith.constant 8.000000e+00 : f32
        %mul3A_572 = vector.broadcast %mul3A_571 : f32 to vector<16xf32>
        %mul3A_573 = arith.mulf %get3A_570, %mul3A_572 : vector<16xf32>
        %get3A_574 = arith.index_cast %scan3A_515 : i32 to index
        %get3A_575 = arith.constant 48 : index
        %get3A_576 = tpu.vector_load %arg11[%get3A_574, %get3A_575] {strides = array<i32>} : memref<200x64xf32, #tpu.memory_space<vmem>>, vector<1x16xf32>,
        %get3A_577 = vector.shape_cast %get3A_576 : vector<1x16xf32> to vector<16xf32>
        %add3A_578 = arith.addf %mul3A_573, %get3A_577 : vector<16xf32>
        %swap3A_579 = arith.index_cast %scan3A_515 : i32 to index
        %swap3A_580 = arith.constant 48 : index
        %swap3A_581 = tpu.vector_load %arg10[%swap3A_579, %swap3A_580] {strides = array<i32>} : memref<200x64xf32, #tpu.memory_space<vmem>>, vector<1x16xf32>,
        %swap3A_582 = vector.shape_cast %swap3A_581 : vector<1x16xf32> to vector<16xf32>
        %swap3A_583 = vector.shape_cast %add3A_578 : vector<16xf32> to vector<1x16xf32>
        tpu.vector_store %arg10[%swap3A_579, %swap3A_580], %swap3A_583 {strides = array<i32>} : memref<200x64xf32, #tpu.memory_space<vmem>>, vector<1x16xf32>,
        %scan3A_584 = arith.constant 7 : i32
        %scan3A_585 = arith.addi %scan3A_97, %scan3A_584 : i32
        %get3A_586 = arith.index_cast %scan3A_585 : i32 to index
        %get3A_587 = arith.constant 0 : index
        %get3A_588 = tpu.vector_load %arg8[%get3A_586, %get3A_587] {strides = array<i32>} : memref<200x128xf32, #tpu.memory_space<vmem>>, vector<1x16xf32>,
        %get3A_589 = vector.shape_cast %get3A_588 : vector<1x16xf32> to vector<16xf32>
        %mul3A_590 = arith.constant 8.000000e+00 : f32
        %mul3A_591 = vector.broadcast %mul3A_590 : f32 to vector<16xf32>
        %mul3A_592 = arith.mulf %get3A_589, %mul3A_591 : vector<16xf32>
        %get3A_593 = arith.index_cast %scan3A_585 : i32 to index
        %get3A_594 = arith.constant 0 : index
        %get3A_595 = tpu.vector_load %arg11[%get3A_593, %get3A_594] {strides = array<i32>} : memref<200x64xf32, #tpu.memory_space<vmem>>, vector<1x16xf32>,
        %get3A_596 = vector.shape_cast %get3A_595 : vector<1x16xf32> to vector<16xf32>
        %add3A_597 = arith.addf %mul3A_592, %get3A_596 : vector<16xf32>
        %swap3A_598 = arith.index_cast %scan3A_585 : i32 to index
        %swap3A_599 = arith.constant 0 : index
        %swap3A_600 = tpu.vector_load %arg10[%swap3A_598, %swap3A_599] {strides = array<i32>} : memref<200x64xf32, #tpu.memory_space<vmem>>, vector<1x16xf32>,
        %swap3A_601 = vector.shape_cast %swap3A_600 : vector<1x16xf32> to vector<16xf32>
        %swap3A_602 = vector.shape_cast %add3A_597 : vector<16xf32> to vector<1x16xf32>
        tpu.vector_store %arg10[%swap3A_598, %swap3A_599], %swap3A_602 {strides = array<i32>} : memref<200x64xf32, #tpu.memory_space<vmem>>, vector<1x16xf32>,
        %get3A_603 = arith.index_cast %scan3A_585 : i32 to index
        %get3A_604 = arith.constant 16 : index
        %get3A_605 = tpu.vector_load %arg8[%get3A_603, %get3A_604] {strides = array<i32>} : memref<200x128xf32, #tpu.memory_space<vmem>>, vector<1x16xf32>,
        %get3A_606 = vector.shape_cast %get3A_605 : vector<1x16xf32> to vector<16xf32>
        %mul3A_607 = arith.constant 8.000000e+00 : f32
        %mul3A_608 = vector.broadcast %mul3A_607 : f32 to vector<16xf32>
        %mul3A_609 = arith.mulf %get3A_606, %mul3A_608 : vector<16xf32>
        %get3A_610 = arith.index_cast %scan3A_585 : i32 to index
        %get3A_611 = arith.constant 16 : index
        %get3A_612 = tpu.vector_load %arg11[%get3A_610, %get3A_611] {strides = array<i32>} : memref<200x64xf32, #tpu.memory_space<vmem>>, vector<1x16xf32>,
        %get3A_613 = vector.shape_cast %get3A_612 : vector<1x16xf32> to vector<16xf32>
        %add3A_614 = arith.addf %mul3A_609, %get3A_613 : vector<16xf32>
        %swap3A_615 = arith.index_cast %scan3A_585 : i32 to index
        %swap3A_616 = arith.constant 16 : index
        %swap3A_617 = tpu.vector_load %arg10[%swap3A_615, %swap3A_616] {strides = array<i32>} : memref<200x64xf32, #tpu.memory_space<vmem>>, vector<1x16xf32>,
        %swap3A_618 = vector.shape_cast %swap3A_617 : vector<1x16xf32> to vector<16xf32>
        %swap3A_619 = vector.shape_cast %add3A_614 : vector<16xf32> to vector<1x16xf32>
        tpu.vector_store %arg10[%swap3A_615, %swap3A_616], %swap3A_619 {strides = array<i32>} : memref<200x64xf32, #tpu.memory_space<vmem>>, vector<1x16xf32>,
        %get3A_620 = arith.index_cast %scan3A_585 : i32 to index
        %get3A_621 = arith.constant 32 : index
        %get3A_622 = tpu.vector_load %arg8[%get3A_620, %get3A_621] {strides = array<i32>} : memref<200x128xf32, #tpu.memory_space<vmem>>, vector<1x16xf32>,
        %get3A_623 = vector.shape_cast %get3A_622 : vector<1x16xf32> to vector<16xf32>
        %mul3A_624 = arith.constant 8.000000e+00 : f32
        %mul3A_625 = vector.broadcast %mul3A_624 : f32 to vector<16xf32>
        %mul3A_626 = arith.mulf %get3A_623, %mul3A_625 : vector<16xf32>
        %get3A_627 = arith.index_cast %scan3A_585 : i32 to index
        %get3A_628 = arith.constant 32 : index
        %get3A_629 = tpu.vector_load %arg11[%get3A_627, %get3A_628] {strides = array<i32>} : memref<200x64xf32, #tpu.memory_space<vmem>>, vector<1x16xf32>,
        %get3A_630 = vector.shape_cast %get3A_629 : vector<1x16xf32> to vector<16xf32>
        %add3A_631 = arith.addf %mul3A_626, %get3A_630 : vector<16xf32>
        %swap3A_632 = arith.index_cast %scan3A_585 : i32 to index
        %swap3A_633 = arith.constant 32 : index
        %swap3A_634 = tpu.vector_load %arg10[%swap3A_632, %swap3A_633] {strides = array<i32>} : memref<200x64xf32, #tpu.memory_space<vmem>>, vector<1x16xf32>,
        %swap3A_635 = vector.shape_cast %swap3A_634 : vector<1x16xf32> to vector<16xf32>
        %swap3A_636 = vector.shape_cast %add3A_631 : vector<16xf32> to vector<1x16xf32>
        tpu.vector_store %arg10[%swap3A_632, %swap3A_633], %swap3A_636 {strides = array<i32>} : memref<200x64xf32, #tpu.memory_space<vmem>>, vector<1x16xf32>,
        %get3A_637 = arith.index_cast %scan3A_585 : i32 to index
        %get3A_638 = arith.constant 48 : index
        %get3A_639 = tpu.vector_load %arg8[%get3A_637, %get3A_638] {strides = array<i32>} : memref<200x128xf32, #tpu.memory_space<vmem>>, vector<1x16xf32>,
        %get3A_640 = vector.shape_cast %get3A_639 : vector<1x16xf32> to vector<16xf32>
        %mul3A_641 = arith.constant 8.000000e+00 : f32
        %mul3A_642 = vector.broadcast %mul3A_641 : f32 to vector<16xf32>
        %mul3A_643 = arith.mulf %get3A_640, %mul3A_642 : vector<16xf32>
        %get3A_644 = arith.index_cast %scan3A_585 : i32 to index
        %get3A_645 = arith.constant 48 : index
        %get3A_646 = tpu.vector_load %arg11[%get3A_644, %get3A_645] {strides = array<i32>} : memref<200x64xf32, #tpu.memory_space<vmem>>, vector<1x16xf32>,
        %get3A_647 = vector.shape_cast %get3A_646 : vector<1x16xf32> to vector<16xf32>
        %add3A_648 = arith.addf %mul3A_643, %get3A_647 : vector<16xf32>
        %swap3A_649 = arith.index_cast %scan3A_585 : i32 to index
        %swap3A_650 = arith.constant 48 : index
        %swap3A_651 = tpu.vector_load %arg10[%swap3A_649, %swap3A_650] {strides = array<i32>} : memref<200x64xf32, #tpu.memory_space<vmem>>, vector<1x16xf32>,
        %swap3A_652 = vector.shape_cast %swap3A_651 : vector<1x16xf32> to vector<16xf32>
        %swap3A_653 = vector.shape_cast %add3A_648 : vector<16xf32> to vector<1x16xf32>
        tpu.vector_store %arg10[%swap3A_649, %swap3A_650], %swap3A_653 {strides = array<i32>} : memref<200x64xf32, #tpu.memory_space<vmem>>, vector<1x16xf32>,
      }
      %scan3A_82 = arith.constant 200 : i32
      %mul3A_83 = arith.constant 200 : i32
      %mul3A_84 = arith.muli %add3A_65, %mul3A_83 : i32
      %add3A_85 = arith.addi %mul3A_2, %mul3A_84 : i32
      %dma_start3A_86 = arith.constant 0 : i32
      %dma_start3A_87 = tpu.memref_slice %arg5[%add3A_85, %dma_start3A_86] : memref<819200x128xf32, #tpu.memory_space<hbm>> -> memref<200x64xf32, #tpu.memory_space<hbm>>
      %dma_start3A_88 = arith.constant 0 : i32
      %dma_start3A_89 = tpu.memref_slice %arg5[%add3A_85, %dma_start3A_88] : memref<819200x128xf32, #tpu.memory_space<hbm>> -> memref<200x64xf32, #tpu.memory_space<hbm>>
      tpu.enqueue_dma source(%arg10 : memref<200x64xf32, #tpu.memory_space<vmem>>) target(%dma_start3A_89 : memref<200x64xf32, #tpu.memory_space<hbm>>) target_semaphore(%arg15 : memref<!tpu.dma_semaphore, #tpu.memory_space<semaphore_mem>>)
      %add3A_90 = arith.constant 2 : i32
      %add3A_91 = arith.addi %add3A_65, %add3A_90 : i32
      %lt3A_92 = arith.constant 128 : i32
      %lt3A_93 = arith.cmpi slt, %add3A_91, %lt3A_92 : i32
      %convert_element_type3A_94 = arith.extui %lt3A_93 : i1 to i32
      %cond3A_95 = arith.constant 0 : i32
      %cond3A_96 = arith.cmpi ne, %convert_element_type3A_94, %cond3A_95 : i32
      scf.if %cond3A_96 {
        %add3A_97 = arith.constant 2 : i32
        %add3A_98 = arith.addi %add3A_65, %add3A_97 : i32
        %dma_start3A_99 = arith.constant 0 : i32
        %dma_start3A_100 = tpu.memref_slice %arg6[%add3A_98, %dma_start3A_99] : memref<128x200xi32, #tpu.memory_space<vmem>> -> memref<1x200xi32, #tpu.memory_space<vmem>>
        %dma_start3A_101 = tpu.memref_squeeze %dma_start3A_100 : memref<1x200xi32, #tpu.memory_space<vmem>> -> memref<200xi32, #tpu.memory_space<vmem>>
        %dma_start3A_102 = arith.constant 0 : i32
        %dma_start3A_103 = arith.constant 0 : i32
        %dma_start3A_104 = tpu.memref_slice %arg3[%dma_start3A_102, %dma_start3A_103] : memref<1000000x128xf32, #tpu.memory_space<hbm>> -> memref<1000000x128xf32, #tpu.memory_space<hbm>>
        tpu.enqueue_indirect_dma source(%dma_start3A_104 : memref<1000000x128xf32, #tpu.memory_space<hbm>>) target(%arg8 : memref<200x128xf32, #tpu.memory_space<vmem>>) offsets(%dma_start3A_101 : memref<200xi32, #tpu.memory_space<vmem>>) semaphore(%arg13 : memref<!tpu.dma_semaphore, #tpu.memory_space<semaphore_mem>>)
      } else {
      }
    }
    %scan3A_20 = arith.constant 64 : i32
    %add3A_21 = arith.constant 25200 : i32
    %add3A_22 = arith.addi %mul3A_2, %add3A_21 : i32
    %dma_wait3A = arith.constant 0 : i32
    %dma_wait3A_23 = tpu.memref_slice %arg5[%add3A_22, %dma_wait3A] : memref<819200x128xf32, #tpu.memory_space<hbm>> -> memref<200x64xf32, #tpu.memory_space<hbm>>
    %dma_wait3A_24 = arith.constant 0 : i32
    %dma_wait3A_25 = tpu.memref_slice %arg5[%add3A_22, %dma_wait3A_24] : memref<819200x128xf32, #tpu.memory_space<hbm>> -> memref<200x64xf32, #tpu.memory_space<hbm>>
    tpu.wait_dma2 semaphore(%arg14 : memref<!tpu.dma_semaphore, #tpu.memory_space<semaphore_mem>>) src(%arg9 : memref<200x64xf32, #tpu.memory_space<vmem>>) dst(%dma_wait3A_25 : memref<200x64xf32, #tpu.memory_space<hbm>>)
    %add3A_26 = arith.constant 25400 : i32
    %add3A_27 = arith.addi %mul3A_2, %add3A_26 : i32
    %dma_wait3A_28 = arith.constant 0 : i32
    %dma_wait3A_29 = tpu.memref_slice %arg5[%add3A_27, %dma_wait3A_28] : memref<819200x128xf32, #tpu.memory_space<hbm>> -> memref<200x64xf32, #tpu.memory_space<hbm>>
    %dma_wait3A_30 = arith.constant 0 : i32
    %dma_wait3A_31 = tpu.memref_slice %arg5[%add3A_27, %dma_wait3A_30] : memref<819200x128xf32, #tpu.memory_space<hbm>> -> memref<200x64xf32, #tpu.memory_space<hbm>>
    tpu.wait_dma2 semaphore(%arg15 : memref<!tpu.dma_semaphore, #tpu.memory_space<semaphore_mem>>) src(%arg10 : memref<200x64xf32, #tpu.memory_space<vmem>>) dst(%dma_wait3A_31 : memref<200x64xf32, #tpu.memory_space<hbm>>)
    return
  }
}

</mosaic_0001>

<sc_bundles>
// kernel: kernel.3.cloned.1.call-start
scs
__scs_entry_jumppad:
0x0: {  	(pc) =	sbr.rel $0x88, $3  }
0x1: {  	(tag) =	ssettag $0x0;
	lr =	simm.s32 $0x1  }
0x2: {  	[smem:$0x3F9F] =	sst lr;
	_ =	strace $0xD0000000  }
0x3: {  	_ = 	snop  }
0x4: {  	_ = 	snop  }
0x5: {  	_ = 	snop  }
0x6: {  	_ = 	snop  }
0x7: {  	_ = 	snop  }
__scs_overlays_trampoline_lowered:
0x8: {  	[smem:$0x3FAE] =	sst s0  }
0x9: {  	[smem:$0x3FAF] =	sst s1  }
0xa: {  	[smem:$0x3FB0] =	sst s2  }
0xb: {  	[smem:$0x3FB1] =	sst s3  }
0xc: {  	[smem:$0x3FB2] =	sst s4  }
0xd: {  	[smem:$0x3FB3] =	sst s5  }
0xe: {  	[smem:$0x3FB4] =	sst s6  }
0xf: {  	[smem:$0x3FB5] =	sst s7  }
0x10: {  	[smem:$0x3FB6] =	sst s8  }
0x11: {  	[smem:$0x3FB7] =	sst s9;
	s0 =	simm.s32 @!p0 $0x0  }
0x12: {  	s1 =	sld [smem:$0x3F9D];
	s0 =	simm.s32 @p0 $0x1  }
0x13: {  	[smem:$0x3FB8] =	sst s0;
	s0 =	simm.s32 @!p1 $0x0  }
0x14: {  	s2 =	sld [smem:$0x3F9C];
	s0 =	simm.s32 @p1 $0x1  }
0x15: {  	[smem:$0x3FB9] =	sst s0;
	s0 =	simm.s32 @!p2 $0x0  }
0x16: {  	s3 =	sld [smem:$0x3FDB];
	s0 =	simm.s32 @p2 $0x1  }
0x17: {  	s4 =	simm.s32 $0x1BF5;
	[smem:$0x3FBB] =	sst s0  }
0x18: {  	s0 =	sld [smem:$0x3F9E];
	_ =	swait.ge [sflag:s4], $0x0  }
0x19: {  	s7 =	sld [smem:$0x3F9F]  }
0x1a: {  	s8 =	sadd.s32 $0xFFFFE003, lr  }
0x1b: {  	s9 =	sadd.s32 $0xFFFFFEF7, lr;
	s5 =	simm.s32 $0xFFFFFFFF;
	p2 =	slt.u32 s8, $0xFFFFF086  }
0x1c: {  	p1 =	slt.u32 s9, $0xF7A;
	s5 =	simm.s32 @!p2 $0x0  }
0x1d: {  	s5 =	simm.s32 @p1 $0x1;
	p0 =	seq.s32 s7, s2  }
0x1e: {  	s7 =	smul.u32 @!p0 $0xF7A, s2;
	p2 =	seq.s32 @!p0 s5, $0x0  }
0x1f: {  	s9 =	smul.u32 $0xF7A, s1;
	s8 =	simm.s32 @!p0 $0x1BF5;
	p2 =	por !p2, p0  }
0x20: {  	[sflag:s8] =	ssyncset.s32 @!p0 $0xFFFFF086;
	s6 =	sadd.s32 @!p0 s3, s7;
	s7 =	simm.s32 @!p0 $0x108  }
0x21: {  	s3 =	sadd.s32 s3, s9;
	s6 =	sadd.s32 @!p0 $0x88, s6;
	s7 =	simm.s32 @p2 $0x1082  }
0x22: {  	[simem:s7], [sflag:s8] =	dma.local @!p0 [hbm:s6], $0xF7A  }
0x23: {  	s9 =	sor.u32 $0xD0000000, s2;
	s6 =	simm.s32 $0x108;
	_ =	swait.ge @!p0 [sflag:s8], $0x0  }
0x24: {  	s3 =	sadd.s32 $0x88, s3;
	s6 =	simm.s32 @!p1 $0x1082;
	[sflag:s4] =	ssyncset.s32 $0xFFFFF086  }
0x25: {  	[simem:s6], [sflag:s4] =	dma.local [hbm:s3], $0xF7A  }
0x26: {  	[smem:$0x3F9F] =	sst s1;
	(tag) =	ssettag s2;
	_ =	strace s9  }
0x27: {  	s1 =	sld [smem:$0x3FAF]  }
0x28: {  	s2 =	sld [smem:$0x3FB0]  }
0x29: {  	s4 =	sld [smem:$0x3FB2]  }
0x2a: {  	p0 =	seq.s32 s5, $0x0;
	s5 =	sld [smem:$0x3FB3]  }
0x2b: {  	s6 =	sld [smem:$0x3FB4]  }
0x2c: {  	s7 =	sld [smem:$0x3FB5]  }
0x2d: {  	s3 =	simm.s32 $0x108;
	s8 =	sld [smem:$0x3FB6]  }
0x2e: {  	s3 =	simm.s32 @!p0 $0x1082;
	s9 =	sld [smem:$0x3FB7]  }
0x2f: {  	lr =	sadd.s32 s0, s3;
	s0 =	sld [smem:$0x3FAE]  }
0x30: {  	s3 =	sld [smem:$0x3FB1]  }
0x31: {  	[smem:$0x3FBA] =	sst s10  }
0x32: {  	s10 =	sld [smem:$0x3FB8];
	_ =	sdelay $0x3  }
0x33: {  	p0 =	seq.s32 s10, $0x1;
	s10 =	sld [smem:$0x3FBA];
	_ =	sdelay $0x3  }
0x34: {  	[smem:$0x3FBA] =	sst s10  }
0x35: {  	s10 =	sld [smem:$0x3FB9];
	_ =	sdelay $0x3  }
0x36: {  	p1 =	seq.s32 s10, $0x1;
	s10 =	sld [smem:$0x3FBA];
	_ =	sdelay $0x3  }
0x37: {  	[smem:$0x3FBA] =	sst s10  }
0x38: {  	s10 =	sld [smem:$0x3FBB]  }
0x39: {  	_ = 	snop;
	(pc) =	sbr.ind lr, $3  }
0x3a: {  	_ = 	snop  }
0x3b: {  	_ = 	snop  }
0x3c: {  	p2 =	seq.s32 s10, $0x1;
	s10 =	sld [smem:$0x3FBA]  }
0x3d: {  	_ =	shalt  }
0x3e: {  	_ =	shalt  }
0x3f: {  	_ =	shalt  }
0x40: {  	_ =	shalt  }
0x41: {  	_ =	shalt  }
0x42: {  	_ =	shalt  }
0x43: {  	_ =	shalt  }
0x44: {  	_ =	shalt  }
0x45: {  	_ =	shalt  }
0x46: {  	_ =	shalt  }
0x47: {  	_ =	shalt  }
0x48: {  	_ =	shalt  }
0x49: {  	_ =	shalt  }
0x4a: {  	_ =	shalt  }
0x4b: {  	_ =	shalt  }
0x4c: {  	_ =	shalt  }
0x4d: {  	_ =	shalt  }
0x4e: {  	_ =	shalt  }
0x4f: {  	_ =	shalt  }
0x50: {  	_ =	shalt  }
0x51: {  	_ =	shalt  }
0x52: {  	_ =	shalt  }
0x53: {  	_ =	shalt  }
0x54: {  	_ =	shalt  }
0x55: {  	_ =	shalt  }
0x56: {  	_ =	shalt  }
0x57: {  	_ =	shalt  }
0x58: {  	_ =	shalt  }
0x59: {  	_ =	shalt  }
0x5a: {  	_ =	shalt  }
0x5b: {  	_ =	shalt  }
0x5c: {  	_ =	shalt  }
0x5d: {  	_ =	shalt  }
0x5e: {  	_ =	shalt  }
0x5f: {  	_ =	shalt  }
0x60: {  	_ =	shalt  }
0x61: {  	_ =	shalt  }
0x62: {  	_ =	shalt  }
0x63: {  	_ =	shalt  }
0x64: {  	_ =	shalt  }
0x65: {  	_ =	shalt  }
0x66: {  	_ =	shalt  }
0x67: {  	_ =	shalt  }
0x68: {  	_ =	shalt  }
0x69: {  	_ =	shalt  }
0x6a: {  	_ =	shalt  }
0x6b: {  	_ =	shalt  }
0x6c: {  	_ =	shalt  }
0x6d: {  	_ =	shalt  }
0x6e: {  	_ =	shalt  }
0x6f: {  	_ =	shalt  }
0x70: {  	_ =	shalt  }
0x71: {  	_ =	shalt  }
0x72: {  	_ =	shalt  }
0x73: {  	_ =	shalt  }
0x74: {  	_ =	shalt  }
0x75: {  	_ =	shalt  }
0x76: {  	_ =	shalt  }
0x77: {  	_ =	shalt  }
0x78: {  	_ =	shalt  }
0x79: {  	_ =	shalt  }
0x7a: {  	_ =	shalt  }
0x7b: {  	_ =	shalt  }
0x7c: {  	_ =	shalt  }
0x7d: {  	_ =	shalt  }
0x7e: {  	_ =	shalt  }
0x7f: {  	_ =	shalt  }
0x80: {  	_ =	shalt  }
0x81: {  	_ =	shalt  }
0x82: {  	_ =	shalt  }
0x83: {  	_ =	shalt  }
0x84: {  	_ =	shalt  }
0x85: {  	_ =	shalt  }
0x86: {  	_ =	shalt  }
0x87: {  	_ =	shalt  }
.Lfunc_end0:
.L_simem_size_0:
called_computation.1_lowered:
.L_overlay_start_0:
0x88: {  	s2 =	sld [smem:$0x3FD9]  }
0x89: {  	s3 =	sld [smem:$0x3FFE];
	_ =	sdelay $0x1  }
0x8a: {  	s1 =	srdreg.scid  }
0x8b: {  	s0 =	sand.u32 $0x1, s1  }
0x8c: {  	s17 =	sshll.u32 s0, $0xA;
	s2 =	sadd.s32 s3, s2  }
0x8d: {  	s2 =	sadd.s32 s2, s17  }
0x8e: {  	[smem:$0x3FC6] =	sst s2  }
0x8f: {  	_ = 	snop  }
0x90: {  	s2 =	sld [smem:$0x3FD0];
	(tm) =	ssettm $0x1  }
0x91: {  	s18 =	sld [smem:$0x3FFB];
	_ =	sdelay $0x3  }
0x92: {  	_ =	strace s18  }
0x93: {  	s3 =	sld [smem:$0x3FFC];
	_ =	sdelay $0x3  }
0x94: {  	_ =	strace s3  }
0x95: {  	s3 =	sld [smem:$0x3FFD];
	_ =	sdelay $0x3  }
0x96: {  	_ =	strace s3  }
0x97: {  	_ =	strace $0x8FFFFFFF  }
0x98: {  	s19 =	sld [smem:$0x3FDB];
	_ =	sdelay $0x1  }
0x99: {  	s4 =	simm.s32 $_scs_section_size  }
0x9a: {  	s5 =	simm.s32 $_size__tile_overlayer_lowered;
	s6 =	simm.s32 $_tile_overlayer_lowered  }
0x9b: {  	s22 =	simm.s32 $0x1BFF;
	s21 =	sshll.u32 s6, $0x1;
	s3 =	sadd.s32 s4, s19  }
0x9c: {  	s7 =	simm.s32 $0x0;
	s20 =	sshll.u32 s5, $0x1;
	s5 =	sadd.s32 s21, s3  }
0x9d: {  	[timem:s7], [sflag:s22] =	dma.local [hbm:s5], s20  }
0x9e: {  	_ =	swait.ge [sflag:s22], s20  }
0x9f: {  	s4 =	ssub.s32 $0x0, s20;
	[sflag:s22] =	ssyncset.done $0x0  }
0xa0: {  	[sflag:s22] =	ssyncadd.s32 s4;
	_ =	sdelay $0x1  }
0xa1: {  	s23 =	simm.s32 $0x1B8B  }
0xa2: {  	_ =	swait.ge [sflag:s23], $0x1  }
0xa3: {  	[sflag:s23] =	ssyncset.done $0x0  }
0xa4: {  	s25 =	simm.s32 $0x1B8E;
	s24 =	sld [smem:$0x3FFE];
	[sflag:s23] =	ssyncadd.s32 $0xFFFFFFFF  }
0xa5: {  	s26 =	simm.s32 $execute0_lowered;
	[smem:$0x3FD2] =	sst s25  }
0xa6: {  	s5 =	sshll.u32 s26, $0x1;
	_ =	strace $0x80000046;
	[dreg:$0x1] =	wrdreg $0xFFFFFFFF  }
0xa7: {  	s28 =	simm.s32 $_size_execute0_lowered;
	s3 =	sadd.s32 s3, s5;
	[dreg:$0x0] =	wrdreg $0x0  }
0xa8: {  	s5 =	sshll.u32 s28, $0x1;
	[dreg:$0x2] =	wrdreg s3  }
0xa9: {  	[dreg:$0x3] =	wrdreg s5  }
0xaa: {  	[dreg:$0x4] =	wrdreg $0xC0  }
0xab: {  	_ =	task [dreg:s7], $0x5FFFF  }
0xac: {  	[dreg:$0x1] =	wrdreg $0xFFFFFFFF  }
0xad: {  	[dreg:$0x0] =	wrdreg $0x60  }
0xae: {  	[dreg:$0x2] =	wrdreg s2  }
0xaf: {  	[dreg:$0x3] =	wrdreg s24  }
0xb0: {  	[dreg:$0x4] =	wrdreg $0x9  }
0xb1: {  	_ =	task.clear_ibuf [dreg:s7], $0x5FFFF;
	_ =	strace $0x90000046  }
0xb2: {  	s29 =	simm.s32 $0x9;
	_ =	strace $0x80000048  }
0xb3: {  	_ =	swait.ge [sflag:s29], $0x1  }
0xb4: {  	[sflag:s29] =	ssyncadd.s32 $0xFFFFFFFF  }
0xb5: {  	_ =	strace $0x90000048  }
0xb6: {  	_ =	sfence  }
0xb7: {  	s30 =	sld [smem:$0x0];
	_ =	sdelay $0x2  }
0xb8: {  	s31 =	sshll.u32 s1, $0xD;
	s1 =	sshrl.u32 s1, $0x2  }
0xb9: {  	s3 =	sand.u32 $0x4000, s31;
	s1 =	sadd.s32 s1, s30  }
0xba: {  	s0 =	sor.u32 s3, s0;
	s1 =	sshll.u32 s1, $0x11  }
0xbb: {  	s0 =	sor.u32 s1, s0  }
0xbc: {  	s0 =	sadd.s32 $0x8F2B, s0  }
0xbd: {  	[sflag:s0] =	ssyncadd.remote.s32 $0x1  }
0xbe: {  	_ =	sfence.sel $0xFFFF  }
0xbf: {  	[dreg:$0x0] =	wrdreg $0xFFFFFFFF;
	(pc) =	sbr.abs _section_cstart, $3  }
0xc0: {  	[dreg:$0x1] =	wrdreg $0xFFFFFFFF  }
0xc1: {  	_ =	task.clear_ibuf [dreg:s7], $0x2FFFF;
	_ =	strace $0x9FFFFFFF  }
0xc2: {  	(tm) =	ssettm $0x7FFFFFFF  }
0xc3: {  	_ =	shalt  }
tec
execute0_lowered:
.L_overlay_start_1:
0x0: {  	(tag) =	ssettag $0x1  }
0x1: {  	s7 =	rddreg [dreg:$0x0]  }
0x2: {  	s6 =	rddreg [dreg:$0x1]  }
0x3: {  	s0 =	rddreg [dreg:$0x2];
	s3 =	srdreg.scid  }
0x4: {  	s1 =	stileid.u32;
	s2 =	simm.s32 $0x0;
	s11 =	simm.s32 $0x5  }
0x5: {  	s12 =	simm.s32 $0xC8;
	s13 =	simm.s32 $0x6400;
	s14 =	simm.s32 $0xC800  }
0x6: {  	s15 =	simm.s32 $0x1;
	s16 =	simm.s32 $0x40;
	s17 =	simm.s32 $0x80  }
0x7: {  	s18 =	simm.s32 $0x12C00;
	s19 =	simm.s32 $0x2;
	s20 =	simm.s32 $0x4  }
0x8: {  	s21 =	simm.s32 $0x15E00;
	s22 =	simm.s32 $0x3;
	s23 =	simm.s32 $0x0  }
0x9: {  	s8 =	sand.u32 $0x1, s3;
	s31 =	sshll.u32 s1, $0x1;
	[smem:$0x7FF] =	sst s2  }
.Ltmp0:
0xa: {  	s4 =	sadd.s32 $0xF43800, s6;
	s3 =	sor.u32 s8, s31;
	(pc) =	sbr.rel .LBB2_1-.Ltmp0, $4  }
0xb: {  	s5 =	sadd.s32 $0xF43000, s6;
	s8 =	ssub.s32 $0x2, s8;
	s3 =	smul.u32 $0x6400, s3  }
0xc: {  	s6 =	sadd.s32 $0xC00, s6;
	_ =	strace $0x80000047;
	s9 =	sshrl.u32 s8, $0x1  }
0xd: {  	s9 =	ssub.s32 s8, s9;
	s10 =	sshrl.u32 s3, $0x3;
	s8 =	sor.u32 $0xC8, s3  }
0xe: {  	s9 =	smax.u32 s9, $0x1;
	s7 =	sadd.s32 s7, s10;
	s10 =	simm.s32 $0x19000  }
.LBB2_12:
0xf: {  	s23 =	sadd.s32 $0x1, s23  }
0x10: {  	_ =	swait.ge [sflag:s22], $0x3200;
	p0 =	sne.s32 s23, s9  }
.Ltmp1:
0x11: {  	[sflag:s22] =	ssyncset.done $0x0;
	(pc) =	sbr.rel @!p0 .LBB2_13-.Ltmp1, $4  }
0x12: {  	[sflag:s22] =	ssyncadd.s32 $0xFFFFCE00  }
0x13: {  	_ =	swait.ge [sflag:s20], $0x3200  }
0x14: {  	[sflag:s20] =	ssyncset.done $0x0  }
0x15: {  	[sflag:s20] =	ssyncadd.s32 $0xFFFFCE00  }
.LBB2_1:
0x16: {  	[tilespmem:s10], [sflag:$0x5] =	stream.linear.gather [hbm4b:s5+s2], $0x3200, $0x38;
	[tilespmem:$0x1C200] =	vst v63  }
0x17: {  	_ =	swait.ge [sflag:s11], $0x3200  }
0x18: {  	[sflag:s11] =	ssyncset.done $0x0  }
0x19: {  	[sflag:s11] =	ssyncadd.s32 $0xFFFFCE00  }
0x1a: {  	[tilespmem:s2], [sflag:$0x5] =	stream.linear.gather [hbm4b:s7+s2], $0x6400, $0x38;
	[tilespmem:$0x1C200] =	vst v63  }
0x1b: {  	_ =	swait.ge [sflag:s11], $0x6400  }
0x1c: {  	[sflag:s11] =	ssyncset.done $0x0  }
0x1d: {  	[sflag:s11] =	ssyncadd.s32 $0xFFFF9C00  }
0x1e: {  	[tilespmem:s13], [sflag:$0x1] =	stream.indirect.gather [hbm4b:s4+s12], $0x80, s2, s12, $0xb8;
	[tilespmem:$0x1C200] =	vst v63  }
0x1f: {  	s24 =	simm.s32 $0x0  }
0x20: {  	[tilespmem:s14], [sflag:$0x2] =	stream.indirect.gather [hbm4b:s4+s12], $0x80, s12, s12, $0xb8;
	[tilespmem:$0x1C200] =	vst v63  }
.LBB2_2:
0x21: {  	_ =	swait.ge [sflag:s15], $0x6400  }
0x22: {  	p0 =	seq.s32 s24, $0x0;
	[sflag:s15] =	ssyncset.done $0x0  }
0x23: {  	s25 =	simm.s32 @!p0 $0x3;
	[sflag:s15] =	ssyncadd.s32 $0xFFFF9C00  }
0x24: {  	_ =	swait.ge @!p0 [sflag:s25], $0x3200  }
0x25: {  	s26 =	simm.s32 $0x12D00;
	s28 =	simm.s32 $0x19100;
	[sflag:s25] =	ssyncset.done @!p0 $0x0  }
0x26: {  	s29 =	simm.s32 $0x6600;
	[sflag:s25] =	ssyncadd.s32 @!p0 $0xFFFFCE00;
	s25 =	simm.s32 $0xFFFFFFF8  }
.LBB2_3:
0x27: {  	v0 =	vld [tilespmem:s29+$0xFFFFFE00];
	_ =	sdelay $0x1  }
0x28: {  	v1 =	vld [tilespmem:s28+$0xFFFFFF00];
	_ =	sdelay $0x2  }
0x29: {  	v0 =	vmul.f32 $8.000000000e+00, v0;
	_ =	sdelay $0x1  }
0x2a: {  	v0 =	vadd.f32 v1, v0;
	_ =	sdelay $0x1  }
0x2b: {  	[tilespmem:s26+$0xFFFFFF00] =	vst v0  }
0x2c: {  	v0 =	vld [tilespmem:s29+$0xFFFFFE10];
	_ =	sdelay $0x1  }
0x2d: {  	v33 =	vld [tilespmem:s28+$0xFFFFFF10];
	_ =	sdelay $0x2  }
0x2e: {  	v0 =	vmul.f32 $8.000000000e+00, v0;
	_ =	sdelay $0x1  }
0x2f: {  	v0 =	vadd.f32 v33, v0;
	_ =	sdelay $0x1  }
0x30: {  	[tilespmem:s26+$0xFFFFFF10] =	vst v0  }
0x31: {  	v0 =	vld [tilespmem:s29+$0xFFFFFE20];
	_ =	sdelay $0x1  }
0x32: {  	v34 =	vld [tilespmem:s28+$0xFFFFFF20];
	_ =	sdelay $0x2  }
0x33: {  	v0 =	vmul.f32 $8.000000000e+00, v0;
	_ =	sdelay $0x1  }
0x34: {  	v0 =	vadd.f32 v34, v0;
	_ =	sdelay $0x1  }
0x35: {  	[tilespmem:s26+$0xFFFFFF20] =	vst v0  }
0x36: {  	v0 =	vld [tilespmem:s29+$0xFFFFFE30];
	_ =	sdelay $0x1  }
0x37: {  	v35 =	vld [tilespmem:s28+$0xFFFFFF30];
	_ =	sdelay $0x2  }
0x38: {  	v0 =	vmul.f32 $8.000000000e+00, v0;
	_ =	sdelay $0x1  }
0x39: {  	v0 =	vadd.f32 v35, v0;
	_ =	sdelay $0x1  }
0x3a: {  	[tilespmem:s26+$0xFFFFFF30] =	vst v0  }
0x3b: {  	v0 =	vld [tilespmem:s29+$0xFFFFFE80];
	_ =	sdelay $0x1  }
0x3c: {  	v36 =	vld [tilespmem:s28+$0xFFFFFF40];
	_ =	sdelay $0x2  }
0x3d: {  	v0 =	vmul.f32 $8.000000000e+00, v0;
	_ =	sdelay $0x1  }
0x3e: {  	v0 =	vadd.f32 v36, v0;
	_ =	sdelay $0x1  }
0x3f: {  	[tilespmem:s26+$0xFFFFFF40] =	vst v0  }
0x40: {  	v0 =	vld [tilespmem:s29+$0xFFFFFE90];
	_ =	sdelay $0x1  }
0x41: {  	v37 =	vld [tilespmem:s28+$0xFFFFFF50];
	_ =	sdelay $0x2  }
0x42: {  	v0 =	vmul.f32 $8.000000000e+00, v0;
	_ =	sdelay $0x1  }
0x43: {  	v0 =	vadd.f32 v37, v0;
	_ =	sdelay $0x1  }
0x44: {  	[tilespmem:s26+$0xFFFFFF50] =	vst v0  }
0x45: {  	v0 =	vld [tilespmem:s29+$0xFFFFFEA0];
	_ =	sdelay $0x1  }
0x46: {  	v38 =	vld [tilespmem:s28+$0xFFFFFF60];
	_ =	sdelay $0x2  }
0x47: {  	v0 =	vmul.f32 $8.000000000e+00, v0;
	_ =	sdelay $0x1  }
0x48: {  	v0 =	vadd.f32 v38, v0;
	_ =	sdelay $0x1  }
0x49: {  	[tilespmem:s26+$0xFFFFFF60] =	vst v0  }
0x4a: {  	v0 =	vld [tilespmem:s29+$0xFFFFFEB0];
	_ =	sdelay $0x1  }
0x4b: {  	v39 =	vld [tilespmem:s28+$0xFFFFFF70];
	_ =	sdelay $0x2  }
0x4c: {  	v0 =	vmul.f32 $8.000000000e+00, v0;
	_ =	sdelay $0x1  }
0x4d: {  	v0 =	vadd.f32 v39, v0;
	_ =	sdelay $0x1  }
0x4e: {  	[tilespmem:s26+$0xFFFFFF70] =	vst v0  }
0x4f: {  	v0 =	vld [tilespmem:s29+$0xFFFFFF00];
	_ =	sdelay $0x1  }
0x50: {  	v40 =	vld [tilespmem:s28+$0xFFFFFF80];
	_ =	sdelay $0x2  }
0x51: {  	v0 =	vmul.f32 $8.000000000e+00, v0;
	_ =	sdelay $0x1  }
0x52: {  	v0 =	vadd.f32 v40, v0;
	_ =	sdelay $0x1  }
0x53: {  	[tilespmem:s26+$0xFFFFFF80] =	vst v0  }
0x54: {  	v0 =	vld [tilespmem:s29+$0xFFFFFF10];
	_ =	sdelay $0x1  }
0x55: {  	v41 =	vld [tilespmem:s28+$0xFFFFFF90];
	_ =	sdelay $0x2  }
0x56: {  	v0 =	vmul.f32 $8.000000000e+00, v0;
	_ =	sdelay $0x1  }
0x57: {  	v0 =	vadd.f32 v41, v0;
	_ =	sdelay $0x1  }
0x58: {  	[tilespmem:s26+$0xFFFFFF90] =	vst v0  }
0x59: {  	v0 =	vld [tilespmem:s29+$0xFFFFFF20];
	_ =	sdelay $0x1  }
0x5a: {  	v42 =	vld [tilespmem:s28+$0xFFFFFFA0];
	_ =	sdelay $0x2  }
0x5b: {  	v0 =	vmul.f32 $8.000000000e+00, v0;
	_ =	sdelay $0x1  }
0x5c: {  	v0 =	vadd.f32 v42, v0;
	_ =	sdelay $0x1  }
0x5d: {  	[tilespmem:s26+$0xFFFFFFA0] =	vst v0  }
0x5e: {  	v0 =	vld [tilespmem:s29+$0xFFFFFF30];
	_ =	sdelay $0x1  }
0x5f: {  	v43 =	vld [tilespmem:s28+$0xFFFFFFB0];
	_ =	sdelay $0x2  }
0x60: {  	v0 =	vmul.f32 $8.000000000e+00, v0;
	_ =	sdelay $0x1  }
0x61: {  	v0 =	vadd.f32 v43, v0;
	_ =	sdelay $0x1  }
0x62: {  	[tilespmem:s26+$0xFFFFFFB0] =	vst v0  }
0x63: {  	v0 =	vld [tilespmem:s29+$0xFFFFFF80];
	_ =	sdelay $0x1  }
0x64: {  	v44 =	vld [tilespmem:s28+$0xFFFFFFC0];
	_ =	sdelay $0x2  }
0x65: {  	v0 =	vmul.f32 $8.000000000e+00, v0;
	_ =	sdelay $0x1  }
0x66: {  	v0 =	vadd.f32 v44, v0;
	_ =	sdelay $0x1  }
0x67: {  	[tilespmem:s26+$0xFFFFFFC0] =	vst v0  }
0x68: {  	v0 =	vld [tilespmem:s29+$0xFFFFFF90];
	_ =	sdelay $0x1  }
0x69: {  	v45 =	vld [tilespmem:s28+$0xFFFFFFD0];
	_ =	sdelay $0x2  }
0x6a: {  	v0 =	vmul.f32 $8.000000000e+00, v0;
	_ =	sdelay $0x1  }
0x6b: {  	v0 =	vadd.f32 v45, v0;
	_ =	sdelay $0x1  }
0x6c: {  	[tilespmem:s26+$0xFFFFFFD0] =	vst v0  }
0x6d: {  	v0 =	vld [tilespmem:s29+$0xFFFFFFA0];
	_ =	sdelay $0x1  }
0x6e: {  	v46 =	vld [tilespmem:s28+$0xFFFFFFE0];
	_ =	sdelay $0x2  }
0x6f: {  	v0 =	vmul.f32 $8.000000000e+00, v0;
	_ =	sdelay $0x1  }
0x70: {  	v0 =	vadd.f32 v46, v0;
	_ =	sdelay $0x1  }
0x71: {  	[tilespmem:s26+$0xFFFFFFE0] =	vst v0  }
0x72: {  	v0 =	vld [tilespmem:s29+$0xFFFFFFB0];
	_ =	sdelay $0x1  }
0x73: {  	v47 =	vld [tilespmem:s28+$0xFFFFFFF0];
	_ =	sdelay $0x2  }
0x74: {  	v0 =	vmul.f32 $8.000000000e+00, v0;
	_ =	sdelay $0x1  }
0x75: {  	v0 =	vadd.f32 v47, v0;
	_ =	sdelay $0x1  }
0x76: {  	[tilespmem:s26+$0xFFFFFFF0] =	vst v0  }
0x77: {  	v0 =	vld [tilespmem:s29+$0x0];
	_ =	sdelay $0x1  }
0x78: {  	v48 =	vld [tilespmem:s28+$0x0];
	_ =	sdelay $0x2  }
0x79: {  	v0 =	vmul.f32 $8.000000000e+00, v0;
	_ =	sdelay $0x1  }
0x7a: {  	v0 =	vadd.f32 v48, v0;
	_ =	sdelay $0x1  }
0x7b: {  	[tilespmem:s26+$0x0] =	vst v0  }
0x7c: {  	v0 =	vld [tilespmem:s29+$0x10];
	_ =	sdelay $0x1  }
0x7d: {  	v49 =	vld [tilespmem:s28+$0x10];
	_ =	sdelay $0x2  }
0x7e: {  	v0 =	vmul.f32 $8.000000000e+00, v0;
	_ =	sdelay $0x1  }
0x7f: {  	v0 =	vadd.f32 v49, v0;
	_ =	sdelay $0x1  }
0x80: {  	[tilespmem:s26+$0x10] =	vst v0  }
0x81: {  	v0 =	vld [tilespmem:s29+$0x20];
	_ =	sdelay $0x1  }
0x82: {  	v50 =	vld [tilespmem:s28+$0x20];
	_ =	sdelay $0x2  }
0x83: {  	v0 =	vmul.f32 $8.000000000e+00, v0;
	_ =	sdelay $0x1  }
0x84: {  	v0 =	vadd.f32 v50, v0;
	_ =	sdelay $0x1  }
0x85: {  	[tilespmem:s26+$0x20] =	vst v0  }
0x86: {  	v0 =	vld [tilespmem:s29+$0x30];
	_ =	sdelay $0x1  }
0x87: {  	v51 =	vld [tilespmem:s28+$0x30];
	_ =	sdelay $0x2  }
0x88: {  	v0 =	vmul.f32 $8.000000000e+00, v0;
	_ =	sdelay $0x1  }
0x89: {  	v0 =	vadd.f32 v51, v0;
	_ =	sdelay $0x1  }
0x8a: {  	[tilespmem:s26+$0x30] =	vst v0  }
0x8b: {  	v0 =	vld [tilespmem:s29+$0x80];
	_ =	sdelay $0x1  }
0x8c: {  	v52 =	vld [tilespmem:s28+$0x40];
	_ =	sdelay $0x2  }
0x8d: {  	v0 =	vmul.f32 $8.000000000e+00, v0;
	_ =	sdelay $0x1  }
0x8e: {  	v0 =	vadd.f32 v52, v0;
	_ =	sdelay $0x1  }
0x8f: {  	[tilespmem:s26+$0x40] =	vst v0  }
0x90: {  	v0 =	vld [tilespmem:s29+$0x90];
	_ =	sdelay $0x1  }
0x91: {  	v53 =	vld [tilespmem:s28+$0x50];
	_ =	sdelay $0x2  }
0x92: {  	v0 =	vmul.f32 $8.000000000e+00, v0;
	_ =	sdelay $0x1  }
0x93: {  	v0 =	vadd.f32 v53, v0;
	_ =	sdelay $0x1  }
0x94: {  	[tilespmem:s26+$0x50] =	vst v0  }
0x95: {  	v0 =	vld [tilespmem:s29+$0xA0];
	_ =	sdelay $0x1  }
0x96: {  	v54 =	vld [tilespmem:s28+$0x60];
	_ =	sdelay $0x2  }
0x97: {  	v0 =	vmul.f32 $8.000000000e+00, v0;
	_ =	sdelay $0x1  }
0x98: {  	v0 =	vadd.f32 v54, v0;
	_ =	sdelay $0x1  }
0x99: {  	[tilespmem:s26+$0x60] =	vst v0  }
0x9a: {  	v0 =	vld [tilespmem:s29+$0xB0];
	_ =	sdelay $0x1  }
0x9b: {  	v55 =	vld [tilespmem:s28+$0x70];
	_ =	sdelay $0x2  }
0x9c: {  	v0 =	vmul.f32 $8.000000000e+00, v0;
	_ =	sdelay $0x1  }
0x9d: {  	v0 =	vadd.f32 v55, v0;
	_ =	sdelay $0x1  }
0x9e: {  	[tilespmem:s26+$0x70] =	vst v0  }
0x9f: {  	v0 =	vld [tilespmem:s29+$0x100];
	_ =	sdelay $0x1  }
0xa0: {  	v56 =	vld [tilespmem:s28+$0x80];
	_ =	sdelay $0x2  }
0xa1: {  	v0 =	vmul.f32 $8.000000000e+00, v0;
	_ =	sdelay $0x1  }
0xa2: {  	v0 =	vadd.f32 v56, v0;
	_ =	sdelay $0x1  }
0xa3: {  	[tilespmem:s26+$0x80] =	vst v0  }
0xa4: {  	v0 =	vld [tilespmem:s29+$0x110];
	_ =	sdelay $0x1  }
0xa5: {  	v57 =	vld [tilespmem:s28+$0x90];
	_ =	sdelay $0x2  }
0xa6: {  	v0 =	vmul.f32 $8.000000000e+00, v0;
	_ =	sdelay $0x1  }
0xa7: {  	v0 =	vadd.f32 v57, v0;
	_ =	sdelay $0x1  }
0xa8: {  	[tilespmem:s26+$0x90] =	vst v0  }
0xa9: {  	v0 =	vld [tilespmem:s29+$0x120];
	_ =	sdelay $0x1  }
0xaa: {  	v58 =	vld [tilespmem:s28+$0xA0];
	_ =	sdelay $0x2  }
0xab: {  	v0 =	vmul.f32 $8.000000000e+00, v0;
	_ =	sdelay $0x1  }
0xac: {  	v0 =	vadd.f32 v58, v0;
	_ =	sdelay $0x1  }
0xad: {  	[tilespmem:s26+$0xA0] =	vst v0  }
0xae: {  	v0 =	vld [tilespmem:s29+$0x130];
	_ =	sdelay $0x1  }
0xaf: {  	v59 =	vld [tilespmem:s28+$0xB0];
	_ =	sdelay $0x2  }
0xb0: {  	v0 =	vmul.f32 $8.000000000e+00, v0;
	_ =	sdelay $0x1  }
0xb1: {  	v0 =	vadd.f32 v59, v0;
	_ =	sdelay $0x1  }
0xb2: {  	[tilespmem:s26+$0xB0] =	vst v0  }
0xb3: {  	v0 =	vld [tilespmem:s29+$0x180];
	_ =	sdelay $0x1  }
0xb4: {  	v60 =	vld [tilespmem:s28+$0xC0];
	_ =	sdelay $0x2  }
0xb5: {  	v0 =	vmul.f32 $8.000000000e+00, v0;
	_ =	sdelay $0x1  }
0xb6: {  	v0 =	vadd.f32 v60, v0;
	_ =	sdelay $0x1  }
0xb7: {  	[tilespmem:s26+$0xC0] =	vst v0  }
0xb8: {  	v0 =	vld [tilespmem:s29+$0x190];
	_ =	sdelay $0x1  }
0xb9: {  	v61 =	vld [tilespmem:s28+$0xD0];
	_ =	sdelay $0x2  }
0xba: {  	v0 =	vmul.f32 $8.000000000e+00, v0;
	_ =	sdelay $0x1  }
0xbb: {  	v0 =	vadd.f32 v61, v0;
	_ =	sdelay $0x1  }
0xbc: {  	[tilespmem:s26+$0xD0] =	vst v0  }
0xbd: {  	v0 =	vld [tilespmem:s29+$0x1A0];
	_ =	sdelay $0x1  }
0xbe: {  	v62 =	vld [tilespmem:s28+$0xE0];
	_ =	sdelay $0x2  }
0xbf: {  	v0 =	vmul.f32 $8.000000000e+00, v0;
	_ =	sdelay $0x1  }
0xc0: {  	v0 =	vadd.f32 v62, v0;
	_ =	sdelay $0x1  }
0xc1: {  	[tilespmem:s26+$0xE0] =	vst v0  }
0xc2: {  	v0 =	vld [tilespmem:s29+$0x1B0];
	_ =	sdelay $0x1  }
0xc3: {  	v63 =	vld [tilespmem:s28+$0xF0]  }
0xc4: {  	s25 =	sadd.s32 $0x8, s25  }
0xc5: {  	p1 =	slt.u32 s25, $0xC0  }
.Ltmp2:
0xc6: {  	v0 =	vmul.f32 $8.000000000e+00, v0;
	(pc) =	sbr.rel @p1 .LBB2_3-.Ltmp2, $3  }
0xc7: {  	_ = 	snop  }
0xc8: {  	v0 =	vadd.f32 v63, v0;
	_ =	sdelay $0x1  }
0xc9: {  	s28 =	sadd.s32 $0x200, s28;
	s29 =	sadd.s32 $0x400, s29;
	[tilespmem:s26+$0xF0] =	vst v0;
	s26 =	sadd.s32 $0x200, s26  }
0xca: {  	s25 =	smul.u32 $0x190, s24;
	p1 =	sne.s32 s24, $0x3F  }
.Ltmp3:
0xcb: {  	_ = 	snop;
	(pc) =	sbr.rel @p1 .LBB2_6-.Ltmp3, $4  }
0xcc: {  	s26 =	sadd.s32 s3, s25  }
0xcd: {  	s26 =	sshll.u32 s26, $0x4  }
0xce: {  	s26 =	sadd.s32 s6, s26  }
0xcf: {  	[hbm4b:s26+s16] =	stream.strided.scatter [tilespmem:s18], [sflag:$0x3], $0x3200, s17, s16, $0x38;
	[tilespmem:$0x1C200] =	vst v63  }
.Ltmp4:
0xd0: {  	(pc) =	sbr.rel .LBB2_7-.Ltmp4, $4  }
0xd1: {  	_ = 	snop  }
0xd2: {  	_ =	swait.ge [sflag:s19], $0x6400  }
0xd3: {  	[sflag:s19] =	ssyncset.done $0x0  }
0xd4: {  	[sflag:s19] =	ssyncadd.s32 $0xFFFF9C00  }
.LBB2_6:
0xd5: {  	s26 =	smul.u32 $0x640, s24;
	_ =	sdelay $0x1  }
0xd6: {  	s26 =	sshra.s32 s26, $0x2  }
.Ltmp5:
0xd7: {  	s26 =	sadd.s32 $0x190, s26;
	(pc) =	sbr.rel @p0 .LBB2_8-.Ltmp5, $4  }
0xd8: {  	[tilespmem:s13], [sflag:$0x1] =	stream.indirect.gather [hbm4b:s4+s12], $0x80, s26, s12, $0xb8;
	[tilespmem:$0x1C200] =	vst v63  }
0xd9: {  	_ =	swait.ge [sflag:s19], $0x6400  }
0xda: {  	[sflag:s19] =	ssyncset.done $0x0  }
0xdb: {  	[sflag:s19] =	ssyncadd.s32 $0xFFFF9C00  }
.LBB2_7:
0xdc: {  	_ =	swait.ge [sflag:s20], $0x3200  }
0xdd: {  	[sflag:s20] =	ssyncset.done $0x0  }
0xde: {  	[sflag:s20] =	ssyncadd.s32 $0xFFFFCE00  }
.LBB2_8:
0xdf: {  	s26 =	simm.s32 $0xFFFFFFF8  }
0xe0: {  	s28 =	simm.s32 $0x15F00;
	s29 =	simm.s32 $0x19100;
	s30 =	simm.s32 $0xCA00  }
.LBB2_9:
0xe1: {  	v0 =	vld [tilespmem:s30+$0xFFFFFE00];
	_ =	sdelay $0x1  }
0xe2: {  	v1 =	vld [tilespmem:s29+$0xFFFFFF00];
	_ =	sdelay $0x2  }
0xe3: {  	v0 =	vmul.f32 $8.000000000e+00, v0;
	_ =	sdelay $0x1  }
0xe4: {  	v0 =	vadd.f32 v1, v0;
	_ =	sdelay $0x1  }
0xe5: {  	[tilespmem:s28+$0xFFFFFF00] =	vst v0  }
0xe6: {  	v0 =	vld [tilespmem:s30+$0xFFFFFE10];
	_ =	sdelay $0x1  }
0xe7: {  	v33 =	vld [tilespmem:s29+$0xFFFFFF10];
	_ =	sdelay $0x2  }
0xe8: {  	v0 =	vmul.f32 $8.000000000e+00, v0;
	_ =	sdelay $0x1  }
0xe9: {  	v0 =	vadd.f32 v33, v0;
	_ =	sdelay $0x1  }
0xea: {  	[tilespmem:s28+$0xFFFFFF10] =	vst v0  }
0xeb: {  	v0 =	vld [tilespmem:s30+$0xFFFFFE20];
	_ =	sdelay $0x1  }
0xec: {  	v34 =	vld [tilespmem:s29+$0xFFFFFF20];
	_ =	sdelay $0x2  }
0xed: {  	v0 =	vmul.f32 $8.000000000e+00, v0;
	_ =	sdelay $0x1  }
0xee: {  	v0 =	vadd.f32 v34, v0;
	_ =	sdelay $0x1  }
0xef: {  	[tilespmem:s28+$0xFFFFFF20] =	vst v0  }
0xf0: {  	v0 =	vld [tilespmem:s30+$0xFFFFFE30];
	_ =	sdelay $0x1  }
0xf1: {  	v35 =	vld [tilespmem:s29+$0xFFFFFF30];
	_ =	sdelay $0x2  }
0xf2: {  	v0 =	vmul.f32 $8.000000000e+00, v0;
	_ =	sdelay $0x1  }
0xf3: {  	v0 =	vadd.f32 v35, v0;
	_ =	sdelay $0x1  }
0xf4: {  	[tilespmem:s28+$0xFFFFFF30] =	vst v0  }
0xf5: {  	v0 =	vld [tilespmem:s30+$0xFFFFFE80];
	_ =	sdelay $0x1  }
0xf6: {  	v36 =	vld [tilespmem:s29+$0xFFFFFF40];
	_ =	sdelay $0x2  }
0xf7: {  	v0 =	vmul.f32 $8.000000000e+00, v0;
	_ =	sdelay $0x1  }
0xf8: {  	v0 =	vadd.f32 v36, v0;
	_ =	sdelay $0x1  }
0xf9: {  	[tilespmem:s28+$0xFFFFFF40] =	vst v0  }
0xfa: {  	v0 =	vld [tilespmem:s30+$0xFFFFFE90];
	_ =	sdelay $0x1  }
0xfb: {  	v37 =	vld [tilespmem:s29+$0xFFFFFF50];
	_ =	sdelay $0x2  }
0xfc: {  	v0 =	vmul.f32 $8.000000000e+00, v0;
	_ =	sdelay $0x1  }
0xfd: {  	v0 =	vadd.f32 v37, v0;
	_ =	sdelay $0x1  }
0xfe: {  	[tilespmem:s28+$0xFFFFFF50] =	vst v0  }
0xff: {  	v0 =	vld [tilespmem:s30+$0xFFFFFEA0];
	_ =	sdelay $0x1  }
0x100: {  	v38 =	vld [tilespmem:s29+$0xFFFFFF60];
	_ =	sdelay $0x2  }
0x101: {  	v0 =	vmul.f32 $8.000000000e+00, v0;
	_ =	sdelay $0x1  }
0x102: {  	v0 =	vadd.f32 v38, v0;
	_ =	sdelay $0x1  }
0x103: {  	[tilespmem:s28+$0xFFFFFF60] =	vst v0  }
0x104: {  	v0 =	vld [tilespmem:s30+$0xFFFFFEB0];
	_ =	sdelay $0x1  }
0x105: {  	v39 =	vld [tilespmem:s29+$0xFFFFFF70];
	_ =	sdelay $0x2  }
0x106: {  	v0 =	vmul.f32 $8.000000000e+00, v0;
	_ =	sdelay $0x1  }
0x107: {  	v0 =	vadd.f32 v39, v0;
	_ =	sdelay $0x1  }
0x108: {  	[tilespmem:s28+$0xFFFFFF70] =	vst v0  }
0x109: {  	v0 =	vld [tilespmem:s30+$0xFFFFFF00];
	_ =	sdelay $0x1  }
0x10a: {  	v40 =	vld [tilespmem:s29+$0xFFFFFF80];
	_ =	sdelay $0x2  }
0x10b: {  	v0 =	vmul.f32 $8.000000000e+00, v0;
	_ =	sdelay $0x1  }
0x10c: {  	v0 =	vadd.f32 v40, v0;
	_ =	sdelay $0x1  }
0x10d: {  	[tilespmem:s28+$0xFFFFFF80] =	vst v0  }
0x10e: {  	v0 =	vld [tilespmem:s30+$0xFFFFFF10];
	_ =	sdelay $0x1  }
0x10f: {  	v41 =	vld [tilespmem:s29+$0xFFFFFF90];
	_ =	sdelay $0x2  }
0x110: {  	v0 =	vmul.f32 $8.000000000e+00, v0;
	_ =	sdelay $0x1  }
0x111: {  	v0 =	vadd.f32 v41, v0;
	_ =	sdelay $0x1  }
0x112: {  	[tilespmem:s28+$0xFFFFFF90] =	vst v0  }
0x113: {  	v0 =	vld [tilespmem:s30+$0xFFFFFF20];
	_ =	sdelay $0x1  }
0x114: {  	v42 =	vld [tilespmem:s29+$0xFFFFFFA0];
	_ =	sdelay $0x2  }
0x115: {  	v0 =	vmul.f32 $8.000000000e+00, v0;
	_ =	sdelay $0x1  }
0x116: {  	v0 =	vadd.f32 v42, v0;
	_ =	sdelay $0x1  }
0x117: {  	[tilespmem:s28+$0xFFFFFFA0] =	vst v0  }
0x118: {  	v0 =	vld [tilespmem:s30+$0xFFFFFF30];
	_ =	sdelay $0x1  }
0x119: {  	v43 =	vld [tilespmem:s29+$0xFFFFFFB0];
	_ =	sdelay $0x2  }
0x11a: {  	v0 =	vmul.f32 $8.000000000e+00, v0;
	_ =	sdelay $0x1  }
0x11b: {  	v0 =	vadd.f32 v43, v0;
	_ =	sdelay $0x1  }
0x11c: {  	[tilespmem:s28+$0xFFFFFFB0] =	vst v0  }
0x11d: {  	v0 =	vld [tilespmem:s30+$0xFFFFFF80];
	_ =	sdelay $0x1  }
0x11e: {  	v44 =	vld [tilespmem:s29+$0xFFFFFFC0];
	_ =	sdelay $0x2  }
0x11f: {  	v0 =	vmul.f32 $8.000000000e+00, v0;
	_ =	sdelay $0x1  }
0x120: {  	v0 =	vadd.f32 v44, v0;
	_ =	sdelay $0x1  }
0x121: {  	[tilespmem:s28+$0xFFFFFFC0] =	vst v0  }
0x122: {  	v0 =	vld [tilespmem:s30+$0xFFFFFF90];
	_ =	sdelay $0x1  }
0x123: {  	v45 =	vld [tilespmem:s29+$0xFFFFFFD0];
	_ =	sdelay $0x2  }
0x124: {  	v0 =	vmul.f32 $8.000000000e+00, v0;
	_ =	sdelay $0x1  }
0x125: {  	v0 =	vadd.f32 v45, v0;
	_ =	sdelay $0x1  }
0x126: {  	[tilespmem:s28+$0xFFFFFFD0] =	vst v0  }
0x127: {  	v0 =	vld [tilespmem:s30+$0xFFFFFFA0];
	_ =	sdelay $0x1  }
0x128: {  	v46 =	vld [tilespmem:s29+$0xFFFFFFE0];
	_ =	sdelay $0x2  }
0x129: {  	v0 =	vmul.f32 $8.000000000e+00, v0;
	_ =	sdelay $0x1  }
0x12a: {  	v0 =	vadd.f32 v46, v0;
	_ =	sdelay $0x1  }
0x12b: {  	[tilespmem:s28+$0xFFFFFFE0] =	vst v0  }
0x12c: {  	v0 =	vld [tilespmem:s30+$0xFFFFFFB0];
	_ =	sdelay $0x1  }
0x12d: {  	v47 =	vld [tilespmem:s29+$0xFFFFFFF0];
	_ =	sdelay $0x2  }
0x12e: {  	v0 =	vmul.f32 $8.000000000e+00, v0;
	_ =	sdelay $0x1  }
0x12f: {  	v0 =	vadd.f32 v47, v0;
	_ =	sdelay $0x1  }
0x130: {  	[tilespmem:s28+$0xFFFFFFF0] =	vst v0  }
0x131: {  	v0 =	vld [tilespmem:s30+$0x0];
	_ =	sdelay $0x1  }
0x132: {  	v48 =	vld [tilespmem:s29+$0x0];
	_ =	sdelay $0x2  }
0x133: {  	v0 =	vmul.f32 $8.000000000e+00, v0;
	_ =	sdelay $0x1  }
0x134: {  	v0 =	vadd.f32 v48, v0;
	_ =	sdelay $0x1  }
0x135: {  	[tilespmem:s28+$0x0] =	vst v0  }
0x136: {  	v0 =	vld [tilespmem:s30+$0x10];
	_ =	sdelay $0x1  }
0x137: {  	v49 =	vld [tilespmem:s29+$0x10];
	_ =	sdelay $0x2  }
0x138: {  	v0 =	vmul.f32 $8.000000000e+00, v0;
	_ =	sdelay $0x1  }
0x139: {  	v0 =	vadd.f32 v49, v0;
	_ =	sdelay $0x1  }
0x13a: {  	[tilespmem:s28+$0x10] =	vst v0  }
0x13b: {  	v0 =	vld [tilespmem:s30+$0x20];
	_ =	sdelay $0x1  }
0x13c: {  	v50 =	vld [tilespmem:s29+$0x20];
	_ =	sdelay $0x2  }
0x13d: {  	v0 =	vmul.f32 $8.000000000e+00, v0;
	_ =	sdelay $0x1  }
0x13e: {  	v0 =	vadd.f32 v50, v0;
	_ =	sdelay $0x1  }
0x13f: {  	[tilespmem:s28+$0x20] =	vst v0  }
0x140: {  	v0 =	vld [tilespmem:s30+$0x30];
	_ =	sdelay $0x1  }
0x141: {  	v51 =	vld [tilespmem:s29+$0x30];
	_ =	sdelay $0x2  }
0x142: {  	v0 =	vmul.f32 $8.000000000e+00, v0;
	_ =	sdelay $0x1  }
0x143: {  	v0 =	vadd.f32 v51, v0;
	_ =	sdelay $0x1  }
0x144: {  	[tilespmem:s28+$0x30] =	vst v0  }
0x145: {  	v0 =	vld [tilespmem:s30+$0x80];
	_ =	sdelay $0x1  }
0x146: {  	v52 =	vld [tilespmem:s29+$0x40];
	_ =	sdelay $0x2  }
0x147: {  	v0 =	vmul.f32 $8.000000000e+00, v0;
	_ =	sdelay $0x1  }
0x148: {  	v0 =	vadd.f32 v52, v0;
	_ =	sdelay $0x1  }
0x149: {  	[tilespmem:s28+$0x40] =	vst v0  }
0x14a: {  	v0 =	vld [tilespmem:s30+$0x90];
	_ =	sdelay $0x1  }
0x14b: {  	v53 =	vld [tilespmem:s29+$0x50];
	_ =	sdelay $0x2  }
0x14c: {  	v0 =	vmul.f32 $8.000000000e+00, v0;
	_ =	sdelay $0x1  }
0x14d: {  	v0 =	vadd.f32 v53, v0;
	_ =	sdelay $0x1  }
0x14e: {  	[tilespmem:s28+$0x50] =	vst v0  }
0x14f: {  	v0 =	vld [tilespmem:s30+$0xA0];
	_ =	sdelay $0x1  }
0x150: {  	v54 =	vld [tilespmem:s29+$0x60];
	_ =	sdelay $0x2  }
0x151: {  	v0 =	vmul.f32 $8.000000000e+00, v0;
	_ =	sdelay $0x1  }
0x152: {  	v0 =	vadd.f32 v54, v0;
	_ =	sdelay $0x1  }
0x153: {  	[tilespmem:s28+$0x60] =	vst v0  }
0x154: {  	v0 =	vld [tilespmem:s30+$0xB0];
	_ =	sdelay $0x1  }
0x155: {  	v55 =	vld [tilespmem:s29+$0x70];
	_ =	sdelay $0x2  }
0x156: {  	v0 =	vmul.f32 $8.000000000e+00, v0;
	_ =	sdelay $0x1  }
0x157: {  	v0 =	vadd.f32 v55, v0;
	_ =	sdelay $0x1  }
0x158: {  	[tilespmem:s28+$0x70] =	vst v0  }
0x159: {  	v0 =	vld [tilespmem:s30+$0x100];
	_ =	sdelay $0x1  }
0x15a: {  	v56 =	vld [tilespmem:s29+$0x80];
	_ =	sdelay $0x2  }
0x15b: {  	v0 =	vmul.f32 $8.000000000e+00, v0;
	_ =	sdelay $0x1  }
0x15c: {  	v0 =	vadd.f32 v56, v0;
	_ =	sdelay $0x1  }
0x15d: {  	[tilespmem:s28+$0x80] =	vst v0  }
0x15e: {  	v0 =	vld [tilespmem:s30+$0x110];
	_ =	sdelay $0x1  }
0x15f: {  	v57 =	vld [tilespmem:s29+$0x90];
	_ =	sdelay $0x2  }
0x160: {  	v0 =	vmul.f32 $8.000000000e+00, v0;
	_ =	sdelay $0x1  }
0x161: {  	v0 =	vadd.f32 v57, v0;
	_ =	sdelay $0x1  }
0x162: {  	[tilespmem:s28+$0x90] =	vst v0  }
0x163: {  	v0 =	vld [tilespmem:s30+$0x120];
	_ =	sdelay $0x1  }
0x164: {  	v58 =	vld [tilespmem:s29+$0xA0];
	_ =	sdelay $0x2  }
0x165: {  	v0 =	vmul.f32 $8.000000000e+00, v0;
	_ =	sdelay $0x1  }
0x166: {  	v0 =	vadd.f32 v58, v0;
	_ =	sdelay $0x1  }
0x167: {  	[tilespmem:s28+$0xA0] =	vst v0  }
0x168: {  	v0 =	vld [tilespmem:s30+$0x130];
	_ =	sdelay $0x1  }
0x169: {  	v59 =	vld [tilespmem:s29+$0xB0];
	_ =	sdelay $0x2  }
0x16a: {  	v0 =	vmul.f32 $8.000000000e+00, v0;
	_ =	sdelay $0x1  }
0x16b: {  	v0 =	vadd.f32 v59, v0;
	_ =	sdelay $0x1  }
0x16c: {  	[tilespmem:s28+$0xB0] =	vst v0  }
0x16d: {  	v0 =	vld [tilespmem:s30+$0x180];
	_ =	sdelay $0x1  }
0x16e: {  	v60 =	vld [tilespmem:s29+$0xC0];
	_ =	sdelay $0x2  }
0x16f: {  	v0 =	vmul.f32 $8.000000000e+00, v0;
	_ =	sdelay $0x1  }
0x170: {  	v0 =	vadd.f32 v60, v0;
	_ =	sdelay $0x1  }
0x171: {  	[tilespmem:s28+$0xC0] =	vst v0  }
0x172: {  	v0 =	vld [tilespmem:s30+$0x190];
	_ =	sdelay $0x1  }
0x173: {  	v61 =	vld [tilespmem:s29+$0xD0];
	_ =	sdelay $0x2  }
0x174: {  	v0 =	vmul.f32 $8.000000000e+00, v0;
	_ =	sdelay $0x1  }
0x175: {  	v0 =	vadd.f32 v61, v0;
	_ =	sdelay $0x1  }
0x176: {  	[tilespmem:s28+$0xD0] =	vst v0  }
0x177: {  	v0 =	vld [tilespmem:s30+$0x1A0];
	_ =	sdelay $0x1  }
0x178: {  	v62 =	vld [tilespmem:s29+$0xE0];
	_ =	sdelay $0x2  }
0x179: {  	v0 =	vmul.f32 $8.000000000e+00, v0;
	_ =	sdelay $0x1  }
0x17a: {  	v0 =	vadd.f32 v62, v0;
	_ =	sdelay $0x1  }
0x17b: {  	[tilespmem:s28+$0xE0] =	vst v0  }
0x17c: {  	v0 =	vld [tilespmem:s30+$0x1B0];
	_ =	sdelay $0x1  }
0x17d: {  	v63 =	vld [tilespmem:s29+$0xF0]  }
0x17e: {  	s26 =	sadd.s32 $0x8, s26  }
0x17f: {  	p0 =	slt.u32 s26, $0xC0  }
.Ltmp6:
0x180: {  	v0 =	vmul.f32 $8.000000000e+00, v0;
	(pc) =	sbr.rel @p0 .LBB2_9-.Ltmp6, $3  }
0x181: {  	_ = 	snop  }
0x182: {  	v0 =	vadd.f32 v63, v0;
	_ =	sdelay $0x1  }
0x183: {  	s29 =	sadd.s32 $0x200, s29;
	s30 =	sadd.s32 $0x400, s30;
	[tilespmem:s28+$0xF0] =	vst v0;
	s28 =	sadd.s32 $0x200, s28  }
0x184: {  	p0 =	seq.s32 s24, $0x3F  }
.Ltmp7:
0x185: {  	s25 =	sadd.s32 s25, s8;
	(pc) =	sbr.rel @p0 .LBB2_12-.Ltmp7, $4  }
0x186: {  	s25 =	sshll.u32 s25, $0x4  }
0x187: {  	s25 =	sand.u32 $0x1FFFFF80, s25  }
0x188: {  	s25 =	sadd.s32 s6, s25  }
0x189: {  	[hbm4b:s25+s16] =	stream.strided.scatter [tilespmem:s21], [sflag:$0x4], $0x3200, s17, s16, $0x38;
	[tilespmem:$0x1C200] =	vst v63  }
0x18a: {  	s25 =	smul.u32 $0x640, s24  }
.Ltmp8:
0x18b: {  	_ = 	snop;
	(pc) =	sbr.rel .LBB2_2-.Ltmp8, $4  }
0x18c: {  	_ = 	snop  }
0x18d: {  	s25 =	sshra.s32 s25, $0x2  }
0x18e: {  	s24 =	sadd.s32 $0x1, s24;
	s25 =	sadd.s32 $0x258, s25  }
0x18f: {  	[tilespmem:s14], [sflag:$0x2] =	stream.indirect.gather [hbm4b:s4+s12], $0x80, s25, s12, $0xb8;
	[tilespmem:$0x1C200] =	vst v63  }
.LBB2_13:
0x190: {  	_ =	sfence.sel $0x180000  }
0x191: {  	[bflag:$0x0] =	sbarrier.arrive $0xFFFF  }
0x192: {  	p0 =	sne.s32 s1, $0x0;
	_ =	strace $0x90000047  }
0x193: {  	s0 =	sadd.s32 @!p0 $0x100000, s0;
	[bflag:$0x2] =	sbarrier.arrive $0xFFFF  }
0x194: {  	[sflag:s0] =	ssyncadd.tile.s32 @!p0 $0x1;
	_ =	shalt  }
.Lfunc_end2:
_tile_overlayer_lowered:
.L_overlay_start_2:
0x195: {  	(tag) =	ssettag $0x2  }
0x196: {  	s0 =	rddreg [dreg:$0x0];
	s2 =	stileid.u32  }
0x197: {  	s1 =	rddreg [dreg:$0x1];
	p0 =	sne.s32 s2, $0x0  }
0x198: {  	s3 =	rddreg [dreg:$0x2];
	[bflag:$0x3] =	sbarrier.arrive $0xFFFF;
	s2 =	simm.s32 @!p0 $0x1C05  }
0x199: {  	[timem:s3], [sflag:s2] =	dma.local @!p0 [hbm:s0], s1  }
0x19a: {  	s0 =	simm.s32 @!p0 $0x5  }
0x19b: {  	_ =	swait.ge @!p0 [sflag:s0], s1  }
0x19c: {  	s1 =	ssub.s32 @!p0 $0x0, s1;
	[sflag:s0] =	ssyncset.done @!p0 $0x0  }
0x19d: {  	[sflag:s0] =	ssyncadd.s32 @!p0 s1  }
0x19e: {  	[bflag:$0x3] =	sbarrier.arrive $0xFFFF  }
0x19f: {  	_ =	shalt  }

// kernel: sparse-core-data-format-call.cloned.1.call-start
scs
called_computation_lowered:
.L_overlay_start_0:
0x0: {  	s2 =	sld [smem:$0x3FD9]  }
0x1: {  	s3 =	sld [smem:$0x3FFE];
	_ =	sdelay $0x1  }
0x2: {  	s1 =	srdreg.scid  }
0x3: {  	s0 =	sand.u32 $0x1, s1  }
0x4: {  	s18 =	sshll.u32 s0, $0xA;
	s2 =	sadd.s32 s3, s2  }
0x5: {  	s2 =	sadd.s32 s2, s18  }
0x6: {  	[smem:$0x3FC6] =	sst s2  }
0x7: {  	_ = 	snop  }
0x8: {  	s2 =	sld [smem:$0x3FD0];
	(tm) =	ssettm $0x1  }
0x9: {  	s19 =	sld [smem:$0x3FFB];
	_ =	sdelay $0x3  }
0xa: {  	_ =	strace s19  }
0xb: {  	s3 =	sld [smem:$0x3FFC];
	_ =	sdelay $0x3  }
0xc: {  	_ =	strace s3  }
0xd: {  	s3 =	sld [smem:$0x3FFD];
	_ =	sdelay $0x3  }
0xe: {  	_ =	strace s3  }
0xf: {  	_ =	strace $0x8FFFFFFF  }
0x10: {  	s20 =	sld [smem:$0x3FDB];
	_ =	sdelay $0x1  }
0x11: {  	s4 =	simm.s32 $_scs_section_size  }
0x12: {  	s5 =	simm.s32 $_size__tile_overlayer_lowered;
	s6 =	simm.s32 $_tile_overlayer_lowered  }
0x13: {  	s23 =	simm.s32 $0x1BFF;
	s22 =	sshll.u32 s6, $0x1;
	s3 =	sadd.s32 s4, s20  }
0x14: {  	s7 =	simm.s32 $0x0;
	s21 =	sshll.u32 s5, $0x1;
	s5 =	sadd.s32 s22, s3  }
0x15: {  	[timem:s7], [sflag:s23] =	dma.local [hbm:s5], s21  }
0x16: {  	_ =	swait.ge [sflag:s23], s21  }
0x17: {  	s4 =	ssub.s32 $0x0, s21;
	[sflag:s23] =	ssyncset.done $0x0  }
0x18: {  	[sflag:s23] =	ssyncadd.s32 s4;
	_ =	sdelay $0x1  }
0x19: {  	s24 =	simm.s32 $0x1B8B  }
0x1a: {  	_ =	swait.ge [sflag:s24], $0x1  }
0x1b: {  	[sflag:s24] =	ssyncset.done $0x0  }
0x1c: {  	s26 =	simm.s32 $0x1B8E;
	s25 =	sld [smem:$0x3FFE];
	[sflag:s24] =	ssyncadd.s32 $0xFFFFFFFF  }
0x1d: {  	s27 =	simm.s32 $execute0_lowered;
	[smem:$0x3FD2] =	sst s26  }
0x1e: {  	s5 =	sshll.u32 s27, $0x1;
	_ =	strace $0x80000049;
	[dreg:$0x1] =	wrdreg $0xFFFFFFFF  }
0x1f: {  	s28 =	simm.s32 $_size_execute0_lowered;
	s3 =	sadd.s32 s3, s5;
	[dreg:$0x0] =	wrdreg $0x0  }
0x20: {  	s5 =	sshll.u32 s28, $0x1;
	[dreg:$0x2] =	wrdreg s3  }
0x21: {  	[dreg:$0x3] =	wrdreg s5  }
0x22: {  	[dreg:$0x4] =	wrdreg $0xC0  }
0x23: {  	_ =	task [dreg:s7], $0x5FFFF  }
0x24: {  	[dreg:$0x1] =	wrdreg $0xFFFFFFFF  }
0x25: {  	[dreg:$0x0] =	wrdreg $0x60  }
0x26: {  	[dreg:$0x2] =	wrdreg s25  }
0x27: {  	[dreg:$0x3] =	wrdreg s2  }
0x28: {  	[dreg:$0x4] =	wrdreg $0x9  }
0x29: {  	_ =	task.clear_ibuf [dreg:s7], $0x5FFFF;
	_ =	strace $0x90000049  }
0x2a: {  	s29 =	simm.s32 $0x9;
	_ =	strace $0x8000004B  }
0x2b: {  	_ =	swait.ge [sflag:s29], $0x1  }
0x2c: {  	[sflag:s29] =	ssyncadd.s32 $0xFFFFFFFF  }
0x2d: {  	_ =	strace $0x9000004B  }
0x2e: {  	_ =	sfence  }
0x2f: {  	s30 =	sld [smem:$0x0];
	_ =	sdelay $0x2  }
0x30: {  	s31 =	sshll.u32 s1, $0xD;
	s1 =	sshrl.u32 s1, $0x2  }
0x31: {  	s3 =	sand.u32 $0x4000, s31;
	s1 =	sadd.s32 s1, s30  }
0x32: {  	s0 =	sor.u32 s3, s0;
	s1 =	sshll.u32 s1, $0x11  }
0x33: {  	s0 =	sor.u32 s1, s0  }
0x34: {  	s0 =	sadd.s32 $0x8F2B, s0  }
0x35: {  	[sflag:s0] =	ssyncadd.remote.s32 $0x1  }
0x36: {  	_ =	sfence.sel $0xFFFF  }
0x37: {  	[dreg:$0x0] =	wrdreg $0xFFFFFFFF;
	(pc) =	sbr.abs _section_cstart, $3  }
0x38: {  	[dreg:$0x1] =	wrdreg $0xFFFFFFFF  }
0x39: {  	_ =	task.clear_ibuf [dreg:s7], $0x2FFFF;
	_ =	strace $0x9FFFFFFF  }
0x3a: {  	(tm) =	ssettm $0x7FFFFFFF  }
0x3b: {  	_ =	shalt  }
tec
execute0_lowered:
.L_overlay_start_1:
0x0: {  	(tag) =	ssettag $0x1  }
0x1: {  	s0 =	srdreg.scid  }
0x2: {  	s1 =	sshll.u32 s0, $0x4  }
0x3: {  	s0 =	stileid.u32;
	s1 =	sand.u32 $0x10, s1  }
0x4: {  	s1 =	sor.u32 s0, s1  }
0x5: {  	s6 =	rddreg [dreg:$0x0];
	s4 =	simm.s32 $0x1;
	s2 =	sshll.u32 s1, $0x7  }
0x6: {  	s7 =	simm.s32 $0x2;
	s12 =	simm.s32 $0x0;
	s1 =	ssub.s32 $0x1000, s2  }
0x7: {  	s8 =	simm.s32 $0x8000;
	s13 =	simm.s32 $0x0;
	s3 =	sand.u32 $0xF80, s1  }
0x8: {  	s9 =	simm.s32 $0x0;
	s5 =	sshrl.u32 s1, $0xC;
	p0 =	sne.s32 s3, $0x0  }
.Ltmp0:
0x9: {  	s1 =	rddreg [dreg:$0x2];
	s4 =	simm.s32 @!p0 $0x0;
	(pc) =	sbr.rel .LBB1_1-.Ltmp0, $4  }
0xa: {  	s11 =	simm.s32 $0x0;
	s3 =	rddreg [dreg:$0x1];
	s5 =	sadd.s32 s4, s5  }
0xb: {  	_ =	strace $0x8000004A;
	s4 =	simm.s32 $0x1;
	s5 =	smul.u32 $0xC8, s5  }
0xc: {  	s6 =	sadd.s32 $0xC00, s6;
	s10 =	smov.u32 s2;
	[sflag:s4] =	ssyncpa.u1 $0x0  }
0xd: {  	p0 =	por $0x0, $0x0;
	[sflag:s7] =	ssyncpa.u1 $0x0;
	s7 =	sor.u32 $0x1, s5  }
.LBB1_4:
0xe: {  	s16 =	sshll.u32 s13, $0x3;
	s17 =	sand.u32 $0x78, s13  }
0xf: {  	s30 =	sand.u32 $0x7E00, s13;
	s12 =	sshll.u32 s12, $0xF;
	s16 =	sand.u32 $0xC00, s16  }
0x10: {  	[tilespmem:s15+$0x810 ss:$0x81] =	vst.msk $0xffff, v2;
	s31 =	sand.u32 $0x7, s13;
	s16 =	sor.u32 s17, s16;
	s17 =	sadd.s32 s3, s30  }
0x11: {  	[tilespmem:s15+$0x1020 ss:$0x81] =	vst.msk $0xffff, v0;
	s13 =	sshll.u32 s31, $0x12;
	s12 =	sadd.s32 s12, s17;
	s16 =	sshrl.u32 s16, $0x3  }
0x12: {  	[tilespmem:s15+$0x0 ss:$0x81] =	vst.msk $0xffff, v1;
	s13 =	sor.u32 $0x400, s13;
	s12 =	sadd.s32 s16, s12  }
0x13: {  	[hbm4b:s12+s13] =	stream.strided.scatter [tilespmem:s14], [sflag:$0x2], $0x2000, s8, s13, $0x20;
	[tilespmem:$0x8080] =	vst v63  }
.LBB1_5:
0x14: {  	s14 =	sadd.s32 $0x1, s9  }
0x15: {  	s12 =	sadd.s32 $0x1000, s10;
	s16 =	smov.u32 s10;
	p2 =	sgt.s32 s14, $0xC7  }
0x16: {  	s16 =	smov.u32 @p2 s12  }
0x17: {  	s14 =	simm.s32 @p2 $0x0;
	p2 =	sgt.s32 s16, $0xFFF  }
0x18: {  	s16 =	smov.u32 @p2 s2;
	p2 =	sne.s32 s11, s7  }
.Ltmp1:
0x19: {  	p1 =	slt.u32 s11, $0x2;
	(pc) =	sbr.rel @!p2 .LBB1_6-.Ltmp1, $4  }
0x1a: {  	s15 =	simm.s32 @!p1 $0x2  }
0x1b: {  	s13 =	smov.u32 s10;
	p0 =	por !p0, !p0;
	_ =	swait.ge @!p1 [sflag:s15], $0x2000  }
0x1c: {  	s12 =	smov.u32 s9;
	[sflag:s15] =	ssyncset.done @!p1 $0x0;
	s9 =	smov.u32 s14  }
0x1d: {  	s11 =	sadd.s32 $0x1, s11;
	[sflag:s15] =	ssyncadd.s32 @!p1 $0xFFFFE000;
	s10 =	smov.u32 s16  }
.LBB1_1:
0x1e: {  	p1 =	sge.u32 s11, s5  }
0x1f: {  	s14 =	sand.u32 @!p1 $0x1FFFFFF, s9  }
0x20: {  	s15 =	smulhi.u32 @!p1 $0x147AE15, s14;
	_ =	sdelay $0x1  }
0x21: {  	s15 =	smul.u32 @!p1 $0xC8, s15  }
0x22: {  	s16 =	sxor.u32 @!p1 $0xFFFFFFFF, s11;
	s17 =	smul.u32 @!p1 $0xC80, s10  }
0x23: {  	s31 =	sadd.s32 $0xFFFFFFFF, s11;
	s16 =	sshll.u32 @!p1 s16, $0xD;
	s14 =	ssub.s32 @!p1 s14, s15  }
0x24: {  	s15 =	sand.u32 @!p1 $0x2000, s16;
	s16 =	sadd.s32 @!p1 s6, s17;
	s14 =	sshll.u32 @!p1 s14, $0x4  }
0x25: {  	s17 =	simm.s32 @!p1 $0x6400;
	s14 =	sadd.s32 @!p1 s14, s16;
	s16 =	simm.s32 @!p1 $0x40  }
0x26: {  	[tilespmem:s15], [sflag:$0x1] =	stream.strided.gather @!p1 [hbm4b:s14+s16], $0x2000, s17, s16, $0x38;
	[tilespmem:$0x8080] =	vst v63  }
0x27: {  	p1 =	sge.u32 s31, s5  }
.Ltmp2:
0x28: {  	_ = 	snop;
	(pc) =	sbr.rel @p1 .LBB1_5-.Ltmp2, $1  }
0x29: {  	_ =	sdelay $0x3  }
0x2a: {  	s14 =	simm.s32 $0x1  }
0x2b: {  	_ =	swait.ge [sflag:s4], $0x2000;
	s14 =	simm.s32 @!p0 $0x0  }
0x2c: {  	[sflag:s4] =	ssyncset.done $0x0;
	s15 =	sshll.u32 s14, $0xD  }
0x2d: {  	[sflag:s4] =	ssyncadd.s32 $0xFFFFE000;
	s18 =	sor.u32 $0x20, s15  }
0x2e: {  	s14 =	smul.u32 $0x8100, s14;
	v3 =	vld [tilespmem:s18+$0x10]  }
0x2f: {  	s30 =	sand.u32 $0x1, s11;
	v2 =	vld [tilespmem:s18+$0xFFFFFFF0]  }
0x30: {  	s15 =	smul.u32 $0x8100, s30;
	s14 =	sshrl.u32 s14, $0x2;
	v0 =	vld [tilespmem:s18+$0x0]  }
0x31: {  	v1 =	vld [tilespmem:s18+$0xFFFFFFE0];
	s16 =	sor.u32 $0x4000, s14  }
0x32: {  	s31 =	sshrl.u32 s15, $0x2;
	s15 =	sadd.s32 $0x0, s16  }
0x33: {  	s17 =	simm.s32 $0x4;
	s18 =	sadd.s32 $0x40, s18;
	s14 =	sor.u32 $0x4000, s31;
	[tilespmem:s15+$0x1830 ss:$0x81] =	vst.msk $0xffff, v3  }
.LBB1_3:
0x34: {  	v3 =	vld [tilespmem:s18+$0x10];
	p1 =	sne.s32 s17, $0x1FC;
	[tilespmem:s15+$0x810 ss:$0x81] =	vst.msk $0xffff, v2;
	s19 =	smov.u32 s17;
	s17 =	sadd.s32 $0x4, s17  }
.Ltmp3:
0x35: {  	v2 =	vld [tilespmem:s18+$0xFFFFFFF0];
	[tilespmem:s15+$0x1020 ss:$0x81] =	vst.msk $0xffff, v0;
	(pc) =	sbr.rel @p1 .LBB1_3-.Ltmp3, $4  }
0x36: {  	v0 =	vld [tilespmem:s18+$0x0];
	[tilespmem:s15+$0x0 ss:$0x81] =	vst.msk $0xffff, v1  }
0x37: {  	s15 =	sshra.s32 s19, $0x2;
	v1 =	vld [tilespmem:s18+$0xFFFFFFE0]  }
0x38: {  	s15 =	sadd.s32 s15, s16  }
0x39: {  	s18 =	sadd.s32 $0x40, s18;
	[tilespmem:s15+$0x1830 ss:$0x81] =	vst.msk $0xffff, v3  }
.Ltmp4:
0x3a: {  	_ = 	snop;
	(pc) =	sbr.rel .LBB1_4-.Ltmp4, $1  }
0x3b: {  	_ =	sdelay $0x3  }
.LBB1_6:
0x3c: {  	_ =	sfence.sel $0x180000  }
0x3d: {  	s2 =	simm.s32 $0x1;
	[bflag:$0x0] =	sbarrier.arrive $0xFFFF  }
0x3e: {  	s31 =	simm.s32 $0x2;
	[sflag:s2] =	ssyncpa.u1 $0x1  }
0x3f: {  	[sflag:s31] =	ssyncpa.u1 $0x1  }
0x40: {  	p0 =	sne.s32 s0, $0x0;
	_ =	strace $0x9000004A  }
0x41: {  	s0 =	sadd.s32 @!p0 $0x100000, s1;
	[bflag:$0x2] =	sbarrier.arrive $0xFFFF  }
0x42: {  	[sflag:s0] =	ssyncadd.tile.s32 @!p0 $0x1;
	_ =	shalt  }
.Lfunc_end1:
_tile_overlayer_lowered:
.L_overlay_start_2:
0x43: {  	(tag) =	ssettag $0x2  }
0x44: {  	s0 =	rddreg [dreg:$0x0];
	s2 =	stileid.u32  }
0x45: {  	s1 =	rddreg [dreg:$0x1];
	p0 =	sne.s32 s2, $0x0  }
0x46: {  	s3 =	rddreg [dreg:$0x2];
	[bflag:$0x3] =	sbarrier.arrive $0xFFFF;
	s2 =	simm.s32 @!p0 $0x1C01  }
0x47: {  	[timem:s3], [sflag:s2] =	dma.local @!p0 [hbm:s0], s1  }
0x48: {  	s0 =	simm.s32 @!p0 $0x1  }
0x49: {  	_ =	swait.ge @!p0 [sflag:s0], s1  }
0x4a: {  	s1 =	ssub.s32 @!p0 $0x0, s1;
	[sflag:s0] =	ssyncset.done @!p0 $0x0  }
0x4b: {  	[sflag:s0] =	ssyncadd.s32 @!p0 s1  }
0x4c: {  	[bflag:$0x3] =	sbarrier.arrive $0xFFFF  }
0x4d: {  	_ =	shalt  }

</sc_bundles>
